<compile_context>
chip_gen: v7x
topology: tpu7x:2x2x1
jax: 0.10.2.dev20260603
libtpu: 0.0.44.dev20260713+nightly
codegen_flags: <defaults>
</compile_context>

<pallas_src>
import functools
import math

import jax
import jax.numpy as jnp
from jax import lax
from jax.experimental import pallas as pl
from jax.experimental.pallas import tpu as pltpu
from jax.experimental.pallas import tpu_sc as plsc

NROW, NCOL = 4096, 200
B = NROW * NCOL
D = 64
LANES = 16
NC, NS = 2, 16
NW = NC * NS
RPW = NROW // NW
NR = 4
CH = NR * NCOL
G = RPW // NR
SCALE = math.sqrt(D)

_mesh = plsc.VectorSubcoreMesh(core_axis_name="c", subcore_axis_name="s")


@functools.partial(
    pl.kernel,
    mesh=_mesh,
    out_type=jax.ShapeDtypeStruct((B, D), jnp.float32),
    scratch_types=[
        pltpu.VMEM((2, NR, NCOL), jnp.int32),
        pltpu.VMEM((2, CH, D), jnp.float32),
        pltpu.SemaphoreType.DMA,
        pltpu.SemaphoreType.DMA,
        pltpu.SemaphoreType.DMA,
        pltpu.SemaphoreType.DMA,
    ],
    compiler_params=pltpu.CompilerParams(use_tc_tiling_on_sc=False),
)
def _emb_lookup(x_hbm, table_hbm, out_hbm, idx_v, rows_v, g0, g1, o0, o1):
    wid = lax.axis_index("s") * NC + lax.axis_index("c")
    row_base = wid * RPW
    gsem = (g0, g1)
    osem = (o0, o1)

    def stage(g, b):
        pltpu.sync_copy(x_hbm.at[pl.ds(row_base + g * NR, NR)], idx_v.at[b])
        for r in range(NR):
            pltpu.async_copy(
                table_hbm.at[idx_v.at[b, r, pl.ds(0, 128)]],
                rows_v.at[b, pl.ds(r * NCOL, 128)],
                gsem[b],
            )
            pltpu.async_copy(
                table_hbm.at[idx_v.at[b, r, pl.ds(128, NCOL - 128)]],
                rows_v.at[b, pl.ds(r * NCOL + 128, NCOL - 128)],
                gsem[b],
            )

    def wait_gathers(b):
        for r in range(NR):
            pltpu.make_async_copy(
                table_hbm.at[idx_v.at[b, r, pl.ds(0, 128)]],
                rows_v.at[b, pl.ds(r * NCOL, 128)],
                gsem[b],
            ).wait()
            pltpu.make_async_copy(
                table_hbm.at[idx_v.at[b, r, pl.ds(128, NCOL - 128)]],
                rows_v.at[b, pl.ds(r * NCOL + 128, NCOL - 128)],
                gsem[b],
            ).wait()

    def wait_writeback(b):
        pltpu.make_async_copy(
            rows_v.at[b], out_hbm.at[pl.ds(0, CH)], osem[b]
        ).wait()

    stage(0, 0)

    def pair_body(k, carry):
        for b in (0, 1):
            gc = 2 * k + b
            nxt = gc + 1

            @pl.when(nxt < G)
            def _():
                @pl.when(nxt >= 2)
                def _():
                    wait_writeback(1 - b)

                stage(nxt, 1 - b)

            wait_gathers(b)

            @plsc.parallel_loop(0, CH, 1, unroll=8)
            def _(r):
                for kk in range(D // LANES):
                    sl = pl.ds(kk * LANES, LANES)
                    rows_v[b, r, sl] = rows_v[b, r, sl] * SCALE

            pltpu.async_copy(
                rows_v.at[b],
                out_hbm.at[pl.ds((row_base + gc * NR) * NCOL, CH)],
                osem[b],
            )
        return carry

    lax.fori_loop(0, G // 2, pair_body, 0)
    wait_writeback(0)
    wait_writeback(1)


def kernel(x, table):
    out = _emb_lookup(x.astype(jnp.int32), table)
    return out.reshape(NROW, NCOL, D)

# --- scband reference (transcript-rebuilt; emitter-appended) ---
"""Pipeline reference for scband-embeddings-23880018166030 (READ-ONLY COPY).

The authoritative reference and input builder live on the scoring server;
editing this copy changes nothing except your own understanding.
"""

import jax, jax.numpy as jnp
import numpy as np
import math

VOCAB = 1000000
D_MODEL = 64
PADDING_IDX = 0

def setup_inputs(seed: int = 0) -> dict:
    key = jax.random.key(seed)
    k1, k2 = jax.random.split(key)
    x = jax.random.randint(k1, (4096, 200), 0, VOCAB)
    table = jax.random.normal(k2, (VOCAB, D_MODEL), dtype=jnp.float32)
    # torch nn.Embedding with padding_idx zeroes the padding row at init
    table = table.at[PADDING_IDX].set(0.0)
    return {"x": x, "table": table}

def reference(x, table):
    # Embeddings.forward: self.lut(x) * math.sqrt(self.d_model)
    out = jnp.take(table, x, axis=0) * math.sqrt(D_MODEL)
    return out

if __name__ == "__main__":
    import jax
    _d = setup_inputs()
    print(jax.jit(kernel)(*tuple(_d.values())))

</pallas_src>

<mosaic_0001>
#map = affine_map<(d0, d1) -> (0, 0)>
module attributes {stable_mosaic.version = 14 : i64} {
  func.func @_emb_lookup(%arg0: i32, %arg1: i32, %arg2: memref<4096x200xi32, #tpu.memory_space<hbm>>, %arg3: memref<1000000x64xf32, #tpu.memory_space<hbm>>, %arg4: memref<819200x64xf32, #tpu.memory_space<hbm>>, %arg5: memref<2x4x200xi32, #tpu.memory_space<vmem>>, %arg6: memref<2x800x64xf32, #tpu.memory_space<vmem>>, %arg7: memref<!tpu.dma_semaphore, #tpu.memory_space<semaphore_mem>>, %arg8: memref<!tpu.dma_semaphore, #tpu.memory_space<semaphore_mem>>, %arg9: memref<!tpu.dma_semaphore, #tpu.memory_space<semaphore_mem>>, %arg10: memref<!tpu.dma_semaphore, #tpu.memory_space<semaphore_mem>>) attributes {dimension_semantics = [#tpu.dimension_semantics<core_parallel>, #tpu.dimension_semantics<subcore_parallel>], iteration_bounds = array<i64: 2, 16>, scalar_prefetch = 0 : i64, scratch_operands = 6 : i64, tpu.core_type = #tpu.core_type<sc_vector_subcore>, window_params = [{transform_indices = #map}, {transform_indices = #map}, {transform_indices = #map}]} {
    %mul3A = arith.constant 2 : i32
    %mul3A_0 = arith.muli %arg1, %mul3A : i32
    %add3A = arith.addi %mul3A_0, %arg0 : i32
    %mul3A_1 = arith.constant 128 : i32
    %mul3A_2 = arith.muli %add3A, %mul3A_1 : i32
    %add3A_3 = arith.constant 0 : i32
    %add3A_4 = arith.addi %mul3A_2, %add3A_3 : i32
    %run_scoped3A = arith.constant 0 : i32
    "tpu.region"() ({
      %run_scoped3A_142 = tpu.sem_alloc : memref<!tpu.dma_semaphore, #tpu.memory_space<semaphore_mem>>
      %dma_start3A_143 = arith.constant 0 : i32
      %dma_start3A_144 = arith.constant 0 : i32
      %dma_start3A_145 = tpu.memref_slice %arg5[%run_scoped3A, %dma_start3A_143, %dma_start3A_144] : memref<2x4x200xi32, #tpu.memory_space<vmem>> -> memref<1x4x200xi32, #tpu.memory_space<vmem>>
      %dma_start3A_146 = tpu.memref_squeeze %dma_start3A_145 : memref<1x4x200xi32, #tpu.memory_space<vmem>> -> memref<4x200xi32, #tpu.memory_space<vmem>>
      %dma_start3A_147 = arith.constant 0 : i32
      %dma_start3A_148 = tpu.memref_slice %arg2[%add3A_4, %dma_start3A_147] : memref<4096x200xi32, #tpu.memory_space<hbm>> -> memref<4x200xi32, #tpu.memory_space<hbm>>
      %dma_start3A_149 = arith.constant 0 : i32
      %dma_start3A_150 = arith.constant 0 : i32
      %dma_start3A_151 = tpu.memref_slice %arg5[%run_scoped3A, %dma_start3A_149, %dma_start3A_150] : memref<2x4x200xi32, #tpu.memory_space<vmem>> -> memref<1x4x200xi32, #tpu.memory_space<vmem>>
      %dma_start3A_152 = tpu.memref_squeeze %dma_start3A_151 : memref<1x4x200xi32, #tpu.memory_space<vmem>> -> memref<4x200xi32, #tpu.memory_space<vmem>>
      %dma_start3A_153 = arith.constant 0 : i32
      %dma_start3A_154 = tpu.memref_slice %arg2[%add3A_4, %dma_start3A_153] : memref<4096x200xi32, #tpu.memory_space<hbm>> -> memref<4x200xi32, #tpu.memory_space<hbm>>
      tpu.enqueue_dma source(%dma_start3A_154 : memref<4x200xi32, #tpu.memory_space<hbm>>) target(%dma_start3A_152 : memref<4x200xi32, #tpu.memory_space<vmem>>) target_semaphore(%run_scoped3A_142 : memref<!tpu.dma_semaphore, #tpu.memory_space<semaphore_mem>>)
      %dma_wait3A_155 = arith.constant 0 : i32
      %dma_wait3A_156 = arith.constant 0 : i32
      %dma_wait3A_157 = tpu.memref_slice %arg5[%run_scoped3A, %dma_wait3A_155, %dma_wait3A_156] : memref<2x4x200xi32, #tpu.memory_space<vmem>> -> memref<1x4x200xi32, #tpu.memory_space<vmem>>
      %dma_wait3A_158 = tpu.memref_squeeze %dma_wait3A_157 : memref<1x4x200xi32, #tpu.memory_space<vmem>> -> memref<4x200xi32, #tpu.memory_space<vmem>>
      %dma_wait3A_159 = arith.constant 0 : i32
      %dma_wait3A_160 = tpu.memref_slice %arg2[%add3A_4, %dma_wait3A_159] : memref<4096x200xi32, #tpu.memory_space<hbm>> -> memref<4x200xi32, #tpu.memory_space<hbm>>
      %dma_wait3A_161 = arith.constant 0 : i32
      %dma_wait3A_162 = arith.constant 0 : i32
      %dma_wait3A_163 = tpu.memref_slice %arg5[%run_scoped3A, %dma_wait3A_161, %dma_wait3A_162] : memref<2x4x200xi32, #tpu.memory_space<vmem>> -> memref<1x4x200xi32, #tpu.memory_space<vmem>>
      %dma_wait3A_164 = tpu.memref_squeeze %dma_wait3A_163 : memref<1x4x200xi32, #tpu.memory_space<vmem>> -> memref<4x200xi32, #tpu.memory_space<vmem>>
      %dma_wait3A_165 = arith.constant 0 : i32
      %dma_wait3A_166 = tpu.memref_slice %arg2[%add3A_4, %dma_wait3A_165] : memref<4096x200xi32, #tpu.memory_space<hbm>> -> memref<4x200xi32, #tpu.memory_space<hbm>>
      tpu.wait_dma2 semaphore(%run_scoped3A_142 : memref<!tpu.dma_semaphore, #tpu.memory_space<semaphore_mem>>) src(%dma_wait3A_166 : memref<4x200xi32, #tpu.memory_space<hbm>>) dst(%dma_wait3A_164 : memref<4x200xi32, #tpu.memory_space<vmem>>)
      tpu.yield
    }) : () -> ()
    %dma_start3A = arith.constant 0 : i32
    %dma_start3A_5 = arith.constant 0 : i32
    %dma_start3A_6 = arith.constant 0 : i32
    %dma_start3A_7 = arith.constant 0 : i32
    %dma_start3A_8 = arith.constant 0 : i32
    %dma_start3A_9 = tpu.memref_slice %arg6[%dma_start3A_6, %dma_start3A_7, %dma_start3A_8] : memref<2x800x64xf32, #tpu.memory_space<vmem>> -> memref<1x128x64xf32, #tpu.memory_space<vmem>>
    %dma_start3A_10 = tpu.memref_squeeze %dma_start3A_9 : memref<1x128x64xf32, #tpu.memory_space<vmem>> -> memref<128x64xf32, #tpu.memory_space<vmem>>
    %dma_start3A_11 = arith.constant 0 : i32
    %dma_start3A_12 = tpu.memref_slice %arg5[%dma_start3A, %dma_start3A_5, %dma_start3A_11] : memref<2x4x200xi32, #tpu.memory_space<vmem>> -> memref<1x1x128xi32, #tpu.memory_space<vmem>>
    %dma_start3A_13 = tpu.memref_squeeze %dma_start3A_12 : memref<1x1x128xi32, #tpu.memory_space<vmem>> -> memref<128xi32, #tpu.memory_space<vmem>>
    %dma_start3A_14 = arith.constant 0 : i32
    %dma_start3A_15 = arith.constant 0 : i32
    %dma_start3A_16 = tpu.memref_slice %arg3[%dma_start3A_14, %dma_start3A_15] : memref<1000000x64xf32, #tpu.memory_space<hbm>> -> memref<1000000x64xf32, #tpu.memory_space<hbm>>
    tpu.enqueue_indirect_dma source(%dma_start3A_16 : memref<1000000x64xf32, #tpu.memory_space<hbm>>) target(%dma_start3A_10 : memref<128x64xf32, #tpu.memory_space<vmem>>) offsets(%dma_start3A_13 : memref<128xi32, #tpu.memory_space<vmem>>) semaphore(%arg7 : memref<!tpu.dma_semaphore, #tpu.memory_space<semaphore_mem>>)
    %dma_start3A_17 = arith.constant 0 : i32
    %dma_start3A_18 = arith.constant 0 : i32
    %dma_start3A_19 = arith.constant 0 : i32
    %dma_start3A_20 = arith.constant 128 : i32
    %dma_start3A_21 = arith.constant 0 : i32
    %dma_start3A_22 = tpu.memref_slice %arg6[%dma_start3A_19, %dma_start3A_20, %dma_start3A_21] : memref<2x800x64xf32, #tpu.memory_space<vmem>> -> memref<1x72x64xf32, #tpu.memory_space<vmem>>
    %dma_start3A_23 = tpu.memref_squeeze %dma_start3A_22 : memref<1x72x64xf32, #tpu.memory_space<vmem>> -> memref<72x64xf32, #tpu.memory_space<vmem>>
    %dma_start3A_24 = arith.constant 128 : i32
    %dma_start3A_25 = tpu.memref_slice %arg5[%dma_start3A_17, %dma_start3A_18, %dma_start3A_24] : memref<2x4x200xi32, #tpu.memory_space<vmem>> -> memref<1x1x72xi32, #tpu.memory_space<vmem>>
    %dma_start3A_26 = tpu.memref_squeeze %dma_start3A_25 : memref<1x1x72xi32, #tpu.memory_space<vmem>> -> memref<72xi32, #tpu.memory_space<vmem>>
    %dma_start3A_27 = arith.constant 0 : i32
    %dma_start3A_28 = arith.constant 0 : i32
    %dma_start3A_29 = tpu.memref_slice %arg3[%dma_start3A_27, %dma_start3A_28] : memref<1000000x64xf32, #tpu.memory_space<hbm>> -> memref<1000000x64xf32, #tpu.memory_space<hbm>>
    tpu.enqueue_indirect_dma source(%dma_start3A_29 : memref<1000000x64xf32, #tpu.memory_space<hbm>>) target(%dma_start3A_23 : memref<72x64xf32, #tpu.memory_space<vmem>>) offsets(%dma_start3A_26 : memref<72xi32, #tpu.memory_space<vmem>>) semaphore(%arg7 : memref<!tpu.dma_semaphore, #tpu.memory_space<semaphore_mem>>)
    %dma_start3A_30 = arith.constant 0 : i32
    %dma_start3A_31 = arith.constant 1 : i32
    %dma_start3A_32 = arith.constant 0 : i32
    %dma_start3A_33 = arith.constant 200 : i32
    %dma_start3A_34 = arith.constant 0 : i32
    %dma_start3A_35 = tpu.memref_slice %arg6[%dma_start3A_32, %dma_start3A_33, %dma_start3A_34] : memref<2x800x64xf32, #tpu.memory_space<vmem>> -> memref<1x128x64xf32, #tpu.memory_space<vmem>>
    %dma_start3A_36 = tpu.memref_squeeze %dma_start3A_35 : memref<1x128x64xf32, #tpu.memory_space<vmem>> -> memref<128x64xf32, #tpu.memory_space<vmem>>
    %dma_start3A_37 = arith.constant 0 : i32
    %dma_start3A_38 = tpu.memref_slice %arg5[%dma_start3A_30, %dma_start3A_31, %dma_start3A_37] : memref<2x4x200xi32, #tpu.memory_space<vmem>> -> memref<1x1x128xi32, #tpu.memory_space<vmem>>
    %dma_start3A_39 = tpu.memref_squeeze %dma_start3A_38 : memref<1x1x128xi32, #tpu.memory_space<vmem>> -> memref<128xi32, #tpu.memory_space<vmem>>
    %dma_start3A_40 = arith.constant 0 : i32
    %dma_start3A_41 = arith.constant 0 : i32
    %dma_start3A_42 = tpu.memref_slice %arg3[%dma_start3A_40, %dma_start3A_41] : memref<1000000x64xf32, #tpu.memory_space<hbm>> -> memref<1000000x64xf32, #tpu.memory_space<hbm>>
    tpu.enqueue_indirect_dma source(%dma_start3A_42 : memref<1000000x64xf32, #tpu.memory_space<hbm>>) target(%dma_start3A_36 : memref<128x64xf32, #tpu.memory_space<vmem>>) offsets(%dma_start3A_39 : memref<128xi32, #tpu.memory_space<vmem>>) semaphore(%arg7 : memref<!tpu.dma_semaphore, #tpu.memory_space<semaphore_mem>>)
    %dma_start3A_43 = arith.constant 0 : i32
    %dma_start3A_44 = arith.constant 1 : i32
    %dma_start3A_45 = arith.constant 0 : i32
    %dma_start3A_46 = arith.constant 328 : i32
    %dma_start3A_47 = arith.constant 0 : i32
    %dma_start3A_48 = tpu.memref_slice %arg6[%dma_start3A_45, %dma_start3A_46, %dma_start3A_47] : memref<2x800x64xf32, #tpu.memory_space<vmem>> -> memref<1x72x64xf32, #tpu.memory_space<vmem>>
    %dma_start3A_49 = tpu.memref_squeeze %dma_start3A_48 : memref<1x72x64xf32, #tpu.memory_space<vmem>> -> memref<72x64xf32, #tpu.memory_space<vmem>>
    %dma_start3A_50 = arith.constant 128 : i32
    %dma_start3A_51 = tpu.memref_slice %arg5[%dma_start3A_43, %dma_start3A_44, %dma_start3A_50] : memref<2x4x200xi32, #tpu.memory_space<vmem>> -> memref<1x1x72xi32, #tpu.memory_space<vmem>>
    %dma_start3A_52 = tpu.memref_squeeze %dma_start3A_51 : memref<1x1x72xi32, #tpu.memory_space<vmem>> -> memref<72xi32, #tpu.memory_space<vmem>>
    %dma_start3A_53 = arith.constant 0 : i32
    %dma_start3A_54 = arith.constant 0 : i32
    %dma_start3A_55 = tpu.memref_slice %arg3[%dma_start3A_53, %dma_start3A_54] : memref<1000000x64xf32, #tpu.memory_space<hbm>> -> memref<1000000x64xf32, #tpu.memory_space<hbm>>
    tpu.enqueue_indirect_dma source(%dma_start3A_55 : memref<1000000x64xf32, #tpu.memory_space<hbm>>) target(%dma_start3A_49 : memref<72x64xf32, #tpu.memory_space<vmem>>) offsets(%dma_start3A_52 : memref<72xi32, #tpu.memory_space<vmem>>) semaphore(%arg7 : memref<!tpu.dma_semaphore, #tpu.memory_space<semaphore_mem>>)
    %dma_start3A_56 = arith.constant 0 : i32
    %dma_start3A_57 = arith.constant 2 : i32
    %dma_start3A_58 = arith.constant 0 : i32
    %dma_start3A_59 = arith.constant 400 : i32
    %dma_start3A_60 = arith.constant 0 : i32
    %dma_start3A_61 = tpu.memref_slice %arg6[%dma_start3A_58, %dma_start3A_59, %dma_start3A_60] : memref<2x800x64xf32, #tpu.memory_space<vmem>> -> memref<1x128x64xf32, #tpu.memory_space<vmem>>
    %dma_start3A_62 = tpu.memref_squeeze %dma_start3A_61 : memref<1x128x64xf32, #tpu.memory_space<vmem>> -> memref<128x64xf32, #tpu.memory_space<vmem>>
    %dma_start3A_63 = arith.constant 0 : i32
    %dma_start3A_64 = tpu.memref_slice %arg5[%dma_start3A_56, %dma_start3A_57, %dma_start3A_63] : memref<2x4x200xi32, #tpu.memory_space<vmem>> -> memref<1x1x128xi32, #tpu.memory_space<vmem>>
    %dma_start3A_65 = tpu.memref_squeeze %dma_start3A_64 : memref<1x1x128xi32, #tpu.memory_space<vmem>> -> memref<128xi32, #tpu.memory_space<vmem>>
    %dma_start3A_66 = arith.constant 0 : i32
    %dma_start3A_67 = arith.constant 0 : i32
    %dma_start3A_68 = tpu.memref_slice %arg3[%dma_start3A_66, %dma_start3A_67] : memref<1000000x64xf32, #tpu.memory_space<hbm>> -> memref<1000000x64xf32, #tpu.memory_space<hbm>>
    tpu.enqueue_indirect_dma source(%dma_start3A_68 : memref<1000000x64xf32, #tpu.memory_space<hbm>>) target(%dma_start3A_62 : memref<128x64xf32, #tpu.memory_space<vmem>>) offsets(%dma_start3A_65 : memref<128xi32, #tpu.memory_space<vmem>>) semaphore(%arg7 : memref<!tpu.dma_semaphore, #tpu.memory_space<semaphore_mem>>)
    %dma_start3A_69 = arith.constant 0 : i32
    %dma_start3A_70 = arith.constant 2 : i32
    %dma_start3A_71 = arith.constant 0 : i32
    %dma_start3A_72 = arith.constant 528 : i32
    %dma_start3A_73 = arith.constant 0 : i32
    %dma_start3A_74 = tpu.memref_slice %arg6[%dma_start3A_71, %dma_start3A_72, %dma_start3A_73] : memref<2x800x64xf32, #tpu.memory_space<vmem>> -> memref<1x72x64xf32, #tpu.memory_space<vmem>>
    %dma_start3A_75 = tpu.memref_squeeze %dma_start3A_74 : memref<1x72x64xf32, #tpu.memory_space<vmem>> -> memref<72x64xf32, #tpu.memory_space<vmem>>
    %dma_start3A_76 = arith.constant 128 : i32
    %dma_start3A_77 = tpu.memref_slice %arg5[%dma_start3A_69, %dma_start3A_70, %dma_start3A_76] : memref<2x4x200xi32, #tpu.memory_space<vmem>> -> memref<1x1x72xi32, #tpu.memory_space<vmem>>
    %dma_start3A_78 = tpu.memref_squeeze %dma_start3A_77 : memref<1x1x72xi32, #tpu.memory_space<vmem>> -> memref<72xi32, #tpu.memory_space<vmem>>
    %dma_start3A_79 = arith.constant 0 : i32
    %dma_start3A_80 = arith.constant 0 : i32
    %dma_start3A_81 = tpu.memref_slice %arg3[%dma_start3A_79, %dma_start3A_80] : memref<1000000x64xf32, #tpu.memory_space<hbm>> -> memref<1000000x64xf32, #tpu.memory_space<hbm>>
    tpu.enqueue_indirect_dma source(%dma_start3A_81 : memref<1000000x64xf32, #tpu.memory_space<hbm>>) target(%dma_start3A_75 : memref<72x64xf32, #tpu.memory_space<vmem>>) offsets(%dma_start3A_78 : memref<72xi32, #tpu.memory_space<vmem>>) semaphore(%arg7 : memref<!tpu.dma_semaphore, #tpu.memory_space<semaphore_mem>>)
    %dma_start3A_82 = arith.constant 0 : i32
    %dma_start3A_83 = arith.constant 3 : i32
    %dma_start3A_84 = arith.constant 0 : i32
    %dma_start3A_85 = arith.constant 600 : i32
    %dma_start3A_86 = arith.constant 0 : i32
    %dma_start3A_87 = tpu.memref_slice %arg6[%dma_start3A_84, %dma_start3A_85, %dma_start3A_86] : memref<2x800x64xf32, #tpu.memory_space<vmem>> -> memref<1x128x64xf32, #tpu.memory_space<vmem>>
    %dma_start3A_88 = tpu.memref_squeeze %dma_start3A_87 : memref<1x128x64xf32, #tpu.memory_space<vmem>> -> memref<128x64xf32, #tpu.memory_space<vmem>>
    %dma_start3A_89 = arith.constant 0 : i32
    %dma_start3A_90 = tpu.memref_slice %arg5[%dma_start3A_82, %dma_start3A_83, %dma_start3A_89] : memref<2x4x200xi32, #tpu.memory_space<vmem>> -> memref<1x1x128xi32, #tpu.memory_space<vmem>>
    %dma_start3A_91 = tpu.memref_squeeze %dma_start3A_90 : memref<1x1x128xi32, #tpu.memory_space<vmem>> -> memref<128xi32, #tpu.memory_space<vmem>>
    %dma_start3A_92 = arith.constant 0 : i32
    %dma_start3A_93 = arith.constant 0 : i32
    %dma_start3A_94 = tpu.memref_slice %arg3[%dma_start3A_92, %dma_start3A_93] : memref<1000000x64xf32, #tpu.memory_space<hbm>> -> memref<1000000x64xf32, #tpu.memory_space<hbm>>
    tpu.enqueue_indirect_dma source(%dma_start3A_94 : memref<1000000x64xf32, #tpu.memory_space<hbm>>) target(%dma_start3A_88 : memref<128x64xf32, #tpu.memory_space<vmem>>) offsets(%dma_start3A_91 : memref<128xi32, #tpu.memory_space<vmem>>) semaphore(%arg7 : memref<!tpu.dma_semaphore, #tpu.memory_space<semaphore_mem>>)
    %dma_start3A_95 = arith.constant 0 : i32
    %dma_start3A_96 = arith.constant 3 : i32
    %dma_start3A_97 = arith.constant 0 : i32
    %dma_start3A_98 = arith.constant 728 : i32
    %dma_start3A_99 = arith.constant 0 : i32
    %dma_start3A_100 = tpu.memref_slice %arg6[%dma_start3A_97, %dma_start3A_98, %dma_start3A_99] : memref<2x800x64xf32, #tpu.memory_space<vmem>> -> memref<1x72x64xf32, #tpu.memory_space<vmem>>
    %dma_start3A_101 = tpu.memref_squeeze %dma_start3A_100 : memref<1x72x64xf32, #tpu.memory_space<vmem>> -> memref<72x64xf32, #tpu.memory_space<vmem>>
    %dma_start3A_102 = arith.constant 128 : i32
    %dma_start3A_103 = tpu.memref_slice %arg5[%dma_start3A_95, %dma_start3A_96, %dma_start3A_102] : memref<2x4x200xi32, #tpu.memory_space<vmem>> -> memref<1x1x72xi32, #tpu.memory_space<vmem>>
    %dma_start3A_104 = tpu.memref_squeeze %dma_start3A_103 : memref<1x1x72xi32, #tpu.memory_space<vmem>> -> memref<72xi32, #tpu.memory_space<vmem>>
    %dma_start3A_105 = arith.constant 0 : i32
    %dma_start3A_106 = arith.constant 0 : i32
    %dma_start3A_107 = tpu.memref_slice %arg3[%dma_start3A_105, %dma_start3A_106] : memref<1000000x64xf32, #tpu.memory_space<hbm>> -> memref<1000000x64xf32, #tpu.memory_space<hbm>>
    tpu.enqueue_indirect_dma source(%dma_start3A_107 : memref<1000000x64xf32, #tpu.memory_space<hbm>>) target(%dma_start3A_101 : memref<72x64xf32, #tpu.memory_space<vmem>>) offsets(%dma_start3A_104 : memref<72xi32, #tpu.memory_space<vmem>>) semaphore(%arg7 : memref<!tpu.dma_semaphore, #tpu.memory_space<semaphore_mem>>)
    %scan3A = arith.constant 0 : i32
    %scan3A_108 = arith.constant 0 : i32
    %scan3A_109 = arith.constant 16 : i32
    %scan3A_110 = arith.addi %scan3A_108, %scan3A_109 : i32
    %scan3A_111 = arith.constant 1 : i32
    scf.for %scan3A_142 = %scan3A_108 to %scan3A_110 step %scan3A_111  : i32 {
      %mul3A_143 = arith.constant 2 : i32
      %mul3A_144 = arith.muli %mul3A_143, %scan3A_142 : i32
      %add3A_145 = arith.constant 0 : i32
      %add3A_146 = arith.addi %mul3A_144, %add3A_145 : i32
      %add3A_147 = arith.constant 1 : i32
      %add3A_148 = arith.addi %add3A_146, %add3A_147 : i32
      %lt3A = arith.constant 32 : i32
      %lt3A_149 = arith.cmpi slt, %add3A_148, %lt3A : i32
      %convert_element_type3A = arith.extui %lt3A_149 : i1 to i32
      %cond3A = arith.constant 0 : i32
      %cond3A_150 = arith.cmpi ne, %convert_element_type3A, %cond3A : i32
      scf.if %cond3A_150 {
        %ge3A = arith.constant 2 : i32
        %ge3A_411 = arith.cmpi sge, %add3A_148, %ge3A : i32
        %convert_element_type3A_412 = arith.extui %ge3A_411 : i1 to i32
        %cond3A_413 = arith.constant 0 : i32
        %cond3A_414 = arith.cmpi ne, %convert_element_type3A_412, %cond3A_413 : i32
        scf.if %cond3A_414 {
          %dma_wait3A_523 = arith.constant 1 : i32
          %dma_wait3A_524 = arith.constant 0 : i32
          %dma_wait3A_525 = arith.constant 0 : i32
          %dma_wait3A_526 = tpu.memref_slice %arg6[%dma_wait3A_523, %dma_wait3A_524, %dma_wait3A_525] : memref<2x800x64xf32, #tpu.memory_space<vmem>> -> memref<1x800x64xf32, #tpu.memory_space<vmem>>
          %dma_wait3A_527 = tpu.memref_squeeze %dma_wait3A_526 : memref<1x800x64xf32, #tpu.memory_space<vmem>> -> memref<800x64xf32, #tpu.memory_space<vmem>>
          %dma_wait3A_528 = arith.constant 0 : i32
          %dma_wait3A_529 = arith.constant 0 : i32
          %dma_wait3A_530 = tpu.memref_slice %arg4[%dma_wait3A_528, %dma_wait3A_529] : memref<819200x64xf32, #tpu.memory_space<hbm>> -> memref<800x64xf32, #tpu.memory_space<hbm>>
          %dma_wait3A_531 = arith.constant 0 : i32
          %dma_wait3A_532 = arith.constant 0 : i32
          %dma_wait3A_533 = tpu.memref_slice %arg4[%dma_wait3A_531, %dma_wait3A_532] : memref<819200x64xf32, #tpu.memory_space<hbm>> -> memref<800x64xf32, #tpu.memory_space<hbm>>
          %dma_wait3A_534 = arith.constant 0 : i32
          %dma_wait3A_535 = arith.constant 0 : i32
          %dma_wait3A_536 = tpu.memref_slice %arg6[%dma_wait3A_523, %dma_wait3A_534, %dma_wait3A_535] : memref<2x800x64xf32, #tpu.memory_space<vmem>> -> memref<1x800x64xf32, #tpu.memory_space<vmem>>
          %dma_wait3A_537 = tpu.memref_squeeze %dma_wait3A_536 : memref<1x800x64xf32, #tpu.memory_space<vmem>> -> memref<800x64xf32, #tpu.memory_space<vmem>>
          tpu.wait_dma2 semaphore(%arg10 : memref<!tpu.dma_semaphore, #tpu.memory_space<semaphore_mem>>) src(%dma_wait3A_537 : memref<800x64xf32, #tpu.memory_space<vmem>>) dst(%dma_wait3A_533 : memref<800x64xf32, #tpu.memory_space<hbm>>)
        } else {
        }
        %mul3A_415 = arith.constant 4 : i32
        %mul3A_416 = arith.muli %add3A_148, %mul3A_415 : i32
        %add3A_417 = arith.addi %mul3A_2, %mul3A_416 : i32
        %run_scoped3A_418 = arith.constant 1 : i32
        "tpu.region"() ({
          %run_scoped3A_523 = tpu.sem_alloc : memref<!tpu.dma_semaphore, #tpu.memory_space<semaphore_mem>>
          %dma_start3A_524 = arith.constant 0 : i32
          %dma_start3A_525 = arith.constant 0 : i32
          %dma_start3A_526 = tpu.memref_slice %arg5[%run_scoped3A_418, %dma_start3A_524, %dma_start3A_525] : memref<2x4x200xi32, #tpu.memory_space<vmem>> -> memref<1x4x200xi32, #tpu.memory_space<vmem>>
          %dma_start3A_527 = tpu.memref_squeeze %dma_start3A_526 : memref<1x4x200xi32, #tpu.memory_space<vmem>> -> memref<4x200xi32, #tpu.memory_space<vmem>>
          %dma_start3A_528 = arith.constant 0 : i32
          %dma_start3A_529 = tpu.memref_slice %arg2[%add3A_417, %dma_start3A_528] : memref<4096x200xi32, #tpu.memory_space<hbm>> -> memref<4x200xi32, #tpu.memory_space<hbm>>
          %dma_start3A_530 = arith.constant 0 : i32
          %dma_start3A_531 = arith.constant 0 : i32
          %dma_start3A_532 = tpu.memref_slice %arg5[%run_scoped3A_418, %dma_start3A_530, %dma_start3A_531] : memref<2x4x200xi32, #tpu.memory_space<vmem>> -> memref<1x4x200xi32, #tpu.memory_space<vmem>>
          %dma_start3A_533 = tpu.memref_squeeze %dma_start3A_532 : memref<1x4x200xi32, #tpu.memory_space<vmem>> -> memref<4x200xi32, #tpu.memory_space<vmem>>
          %dma_start3A_534 = arith.constant 0 : i32
          %dma_start3A_535 = tpu.memref_slice %arg2[%add3A_417, %dma_start3A_534] : memref<4096x200xi32, #tpu.memory_space<hbm>> -> memref<4x200xi32, #tpu.memory_space<hbm>>
          tpu.enqueue_dma source(%dma_start3A_535 : memref<4x200xi32, #tpu.memory_space<hbm>>) target(%dma_start3A_533 : memref<4x200xi32, #tpu.memory_space<vmem>>) target_semaphore(%run_scoped3A_523 : memref<!tpu.dma_semaphore, #tpu.memory_space<semaphore_mem>>)
          %dma_wait3A_536 = arith.constant 0 : i32
          %dma_wait3A_537 = arith.constant 0 : i32
          %dma_wait3A_538 = tpu.memref_slice %arg5[%run_scoped3A_418, %dma_wait3A_536, %dma_wait3A_537] : memref<2x4x200xi32, #tpu.memory_space<vmem>> -> memref<1x4x200xi32, #tpu.memory_space<vmem>>
          %dma_wait3A_539 = tpu.memref_squeeze %dma_wait3A_538 : memref<1x4x200xi32, #tpu.memory_space<vmem>> -> memref<4x200xi32, #tpu.memory_space<vmem>>
          %dma_wait3A_540 = arith.constant 0 : i32
          %dma_wait3A_541 = tpu.memref_slice %arg2[%add3A_417, %dma_wait3A_540] : memref<4096x200xi32, #tpu.memory_space<hbm>> -> memref<4x200xi32, #tpu.memory_space<hbm>>
          %dma_wait3A_542 = arith.constant 0 : i32
          %dma_wait3A_543 = arith.constant 0 : i32
          %dma_wait3A_544 = tpu.memref_slice %arg5[%run_scoped3A_418, %dma_wait3A_542, %dma_wait3A_543] : memref<2x4x200xi32, #tpu.memory_space<vmem>> -> memref<1x4x200xi32, #tpu.memory_space<vmem>>
          %dma_wait3A_545 = tpu.memref_squeeze %dma_wait3A_544 : memref<1x4x200xi32, #tpu.memory_space<vmem>> -> memref<4x200xi32, #tpu.memory_space<vmem>>
          %dma_wait3A_546 = arith.constant 0 : i32
          %dma_wait3A_547 = tpu.memref_slice %arg2[%add3A_417, %dma_wait3A_546] : memref<4096x200xi32, #tpu.memory_space<hbm>> -> memref<4x200xi32, #tpu.memory_space<hbm>>
          tpu.wait_dma2 semaphore(%run_scoped3A_523 : memref<!tpu.dma_semaphore, #tpu.memory_space<semaphore_mem>>) src(%dma_wait3A_547 : memref<4x200xi32, #tpu.memory_space<hbm>>) dst(%dma_wait3A_545 : memref<4x200xi32, #tpu.memory_space<vmem>>)
          tpu.yield
        }) : () -> ()
        %dma_start3A_419 = arith.constant 1 : i32
        %dma_start3A_420 = arith.constant 0 : i32
        %dma_start3A_421 = arith.constant 1 : i32
        %dma_start3A_422 = arith.constant 0 : i32
        %dma_start3A_423 = arith.constant 0 : i32
        %dma_start3A_424 = tpu.memref_slice %arg6[%dma_start3A_421, %dma_start3A_422, %dma_start3A_423] : memref<2x800x64xf32, #tpu.memory_space<vmem>> -> memref<1x128x64xf32, #tpu.memory_space<vmem>>
        %dma_start3A_425 = tpu.memref_squeeze %dma_start3A_424 : memref<1x128x64xf32, #tpu.memory_space<vmem>> -> memref<128x64xf32, #tpu.memory_space<vmem>>
        %dma_start3A_426 = arith.constant 0 : i32
        %dma_start3A_427 = tpu.memref_slice %arg5[%dma_start3A_419, %dma_start3A_420, %dma_start3A_426] : memref<2x4x200xi32, #tpu.memory_space<vmem>> -> memref<1x1x128xi32, #tpu.memory_space<vmem>>
        %dma_start3A_428 = tpu.memref_squeeze %dma_start3A_427 : memref<1x1x128xi32, #tpu.memory_space<vmem>> -> memref<128xi32, #tpu.memory_space<vmem>>
        %dma_start3A_429 = arith.constant 0 : i32
        %dma_start3A_430 = arith.constant 0 : i32
        %dma_start3A_431 = tpu.memref_slice %arg3[%dma_start3A_429, %dma_start3A_430] : memref<1000000x64xf32, #tpu.memory_space<hbm>> -> memref<1000000x64xf32, #tpu.memory_space<hbm>>
        tpu.enqueue_indirect_dma source(%dma_start3A_431 : memref<1000000x64xf32, #tpu.memory_space<hbm>>) target(%dma_start3A_425 : memref<128x64xf32, #tpu.memory_space<vmem>>) offsets(%dma_start3A_428 : memref<128xi32, #tpu.memory_space<vmem>>) semaphore(%arg8 : memref<!tpu.dma_semaphore, #tpu.memory_space<semaphore_mem>>)
        %dma_start3A_432 = arith.constant 1 : i32
        %dma_start3A_433 = arith.constant 0 : i32
        %dma_start3A_434 = arith.constant 1 : i32
        %dma_start3A_435 = arith.constant 128 : i32
        %dma_start3A_436 = arith.constant 0 : i32
        %dma_start3A_437 = tpu.memref_slice %arg6[%dma_start3A_434, %dma_start3A_435, %dma_start3A_436] : memref<2x800x64xf32, #tpu.memory_space<vmem>> -> memref<1x72x64xf32, #tpu.memory_space<vmem>>
        %dma_start3A_438 = tpu.memref_squeeze %dma_start3A_437 : memref<1x72x64xf32, #tpu.memory_space<vmem>> -> memref<72x64xf32, #tpu.memory_space<vmem>>
        %dma_start3A_439 = arith.constant 128 : i32
        %dma_start3A_440 = tpu.memref_slice %arg5[%dma_start3A_432, %dma_start3A_433, %dma_start3A_439] : memref<2x4x200xi32, #tpu.memory_space<vmem>> -> memref<1x1x72xi32, #tpu.memory_space<vmem>>
        %dma_start3A_441 = tpu.memref_squeeze %dma_start3A_440 : memref<1x1x72xi32, #tpu.memory_space<vmem>> -> memref<72xi32, #tpu.memory_space<vmem>>
        %dma_start3A_442 = arith.constant 0 : i32
        %dma_start3A_443 = arith.constant 0 : i32
        %dma_start3A_444 = tpu.memref_slice %arg3[%dma_start3A_442, %dma_start3A_443] : memref<1000000x64xf32, #tpu.memory_space<hbm>> -> memref<1000000x64xf32, #tpu.memory_space<hbm>>
        tpu.enqueue_indirect_dma source(%dma_start3A_444 : memref<1000000x64xf32, #tpu.memory_space<hbm>>) target(%dma_start3A_438 : memref<72x64xf32, #tpu.memory_space<vmem>>) offsets(%dma_start3A_441 : memref<72xi32, #tpu.memory_space<vmem>>) semaphore(%arg8 : memref<!tpu.dma_semaphore, #tpu.memory_space<semaphore_mem>>)
        %dma_start3A_445 = arith.constant 1 : i32
        %dma_start3A_446 = arith.constant 1 : i32
        %dma_start3A_447 = arith.constant 1 : i32
        %dma_start3A_448 = arith.constant 200 : i32
        %dma_start3A_449 = arith.constant 0 : i32
        %dma_start3A_450 = tpu.memref_slice %arg6[%dma_start3A_447, %dma_start3A_448, %dma_start3A_449] : memref<2x800x64xf32, #tpu.memory_space<vmem>> -> memref<1x128x64xf32, #tpu.memory_space<vmem>>
        %dma_start3A_451 = tpu.memref_squeeze %dma_start3A_450 : memref<1x128x64xf32, #tpu.memory_space<vmem>> -> memref<128x64xf32, #tpu.memory_space<vmem>>
        %dma_start3A_452 = arith.constant 0 : i32
        %dma_start3A_453 = tpu.memref_slice %arg5[%dma_start3A_445, %dma_start3A_446, %dma_start3A_452] : memref<2x4x200xi32, #tpu.memory_space<vmem>> -> memref<1x1x128xi32, #tpu.memory_space<vmem>>
        %dma_start3A_454 = tpu.memref_squeeze %dma_start3A_453 : memref<1x1x128xi32, #tpu.memory_space<vmem>> -> memref<128xi32, #tpu.memory_space<vmem>>
        %dma_start3A_455 = arith.constant 0 : i32
        %dma_start3A_456 = arith.constant 0 : i32
        %dma_start3A_457 = tpu.memref_slice %arg3[%dma_start3A_455, %dma_start3A_456] : memref<1000000x64xf32, #tpu.memory_space<hbm>> -> memref<1000000x64xf32, #tpu.memory_space<hbm>>
        tpu.enqueue_indirect_dma source(%dma_start3A_457 : memref<1000000x64xf32, #tpu.memory_space<hbm>>) target(%dma_start3A_451 : memref<128x64xf32, #tpu.memory_space<vmem>>) offsets(%dma_start3A_454 : memref<128xi32, #tpu.memory_space<vmem>>) semaphore(%arg8 : memref<!tpu.dma_semaphore, #tpu.memory_space<semaphore_mem>>)
        %dma_start3A_458 = arith.constant 1 : i32
        %dma_start3A_459 = arith.constant 1 : i32
        %dma_start3A_460 = arith.constant 1 : i32
        %dma_start3A_461 = arith.constant 328 : i32
        %dma_start3A_462 = arith.constant 0 : i32
        %dma_start3A_463 = tpu.memref_slice %arg6[%dma_start3A_460, %dma_start3A_461, %dma_start3A_462] : memref<2x800x64xf32, #tpu.memory_space<vmem>> -> memref<1x72x64xf32, #tpu.memory_space<vmem>>
        %dma_start3A_464 = tpu.memref_squeeze %dma_start3A_463 : memref<1x72x64xf32, #tpu.memory_space<vmem>> -> memref<72x64xf32, #tpu.memory_space<vmem>>
        %dma_start3A_465 = arith.constant 128 : i32
        %dma_start3A_466 = tpu.memref_slice %arg5[%dma_start3A_458, %dma_start3A_459, %dma_start3A_465] : memref<2x4x200xi32, #tpu.memory_space<vmem>> -> memref<1x1x72xi32, #tpu.memory_space<vmem>>
        %dma_start3A_467 = tpu.memref_squeeze %dma_start3A_466 : memref<1x1x72xi32, #tpu.memory_space<vmem>> -> memref<72xi32, #tpu.memory_space<vmem>>
        %dma_start3A_468 = arith.constant 0 : i32
        %dma_start3A_469 = arith.constant 0 : i32
        %dma_start3A_470 = tpu.memref_slice %arg3[%dma_start3A_468, %dma_start3A_469] : memref<1000000x64xf32, #tpu.memory_space<hbm>> -> memref<1000000x64xf32, #tpu.memory_space<hbm>>
        tpu.enqueue_indirect_dma source(%dma_start3A_470 : memref<1000000x64xf32, #tpu.memory_space<hbm>>) target(%dma_start3A_464 : memref<72x64xf32, #tpu.memory_space<vmem>>) offsets(%dma_start3A_467 : memref<72xi32, #tpu.memory_space<vmem>>) semaphore(%arg8 : memref<!tpu.dma_semaphore, #tpu.memory_space<semaphore_mem>>)
        %dma_start3A_471 = arith.constant 1 : i32
        %dma_start3A_472 = arith.constant 2 : i32
        %dma_start3A_473 = arith.constant 1 : i32
        %dma_start3A_474 = arith.constant 400 : i32
        %dma_start3A_475 = arith.constant 0 : i32
        %dma_start3A_476 = tpu.memref_slice %arg6[%dma_start3A_473, %dma_start3A_474, %dma_start3A_475] : memref<2x800x64xf32, #tpu.memory_space<vmem>> -> memref<1x128x64xf32, #tpu.memory_space<vmem>>
        %dma_start3A_477 = tpu.memref_squeeze %dma_start3A_476 : memref<1x128x64xf32, #tpu.memory_space<vmem>> -> memref<128x64xf32, #tpu.memory_space<vmem>>
        %dma_start3A_478 = arith.constant 0 : i32
        %dma_start3A_479 = tpu.memref_slice %arg5[%dma_start3A_471, %dma_start3A_472, %dma_start3A_478] : memref<2x4x200xi32, #tpu.memory_space<vmem>> -> memref<1x1x128xi32, #tpu.memory_space<vmem>>
        %dma_start3A_480 = tpu.memref_squeeze %dma_start3A_479 : memref<1x1x128xi32, #tpu.memory_space<vmem>> -> memref<128xi32, #tpu.memory_space<vmem>>
        %dma_start3A_481 = arith.constant 0 : i32
        %dma_start3A_482 = arith.constant 0 : i32
        %dma_start3A_483 = tpu.memref_slice %arg3[%dma_start3A_481, %dma_start3A_482] : memref<1000000x64xf32, #tpu.memory_space<hbm>> -> memref<1000000x64xf32, #tpu.memory_space<hbm>>
        tpu.enqueue_indirect_dma source(%dma_start3A_483 : memref<1000000x64xf32, #tpu.memory_space<hbm>>) target(%dma_start3A_477 : memref<128x64xf32, #tpu.memory_space<vmem>>) offsets(%dma_start3A_480 : memref<128xi32, #tpu.memory_space<vmem>>) semaphore(%arg8 : memref<!tpu.dma_semaphore, #tpu.memory_space<semaphore_mem>>)
        %dma_start3A_484 = arith.constant 1 : i32
        %dma_start3A_485 = arith.constant 2 : i32
        %dma_start3A_486 = arith.constant 1 : i32
        %dma_start3A_487 = arith.constant 528 : i32
        %dma_start3A_488 = arith.constant 0 : i32
        %dma_start3A_489 = tpu.memref_slice %arg6[%dma_start3A_486, %dma_start3A_487, %dma_start3A_488] : memref<2x800x64xf32, #tpu.memory_space<vmem>> -> memref<1x72x64xf32, #tpu.memory_space<vmem>>
        %dma_start3A_490 = tpu.memref_squeeze %dma_start3A_489 : memref<1x72x64xf32, #tpu.memory_space<vmem>> -> memref<72x64xf32, #tpu.memory_space<vmem>>
        %dma_start3A_491 = arith.constant 128 : i32
        %dma_start3A_492 = tpu.memref_slice %arg5[%dma_start3A_484, %dma_start3A_485, %dma_start3A_491] : memref<2x4x200xi32, #tpu.memory_space<vmem>> -> memref<1x1x72xi32, #tpu.memory_space<vmem>>
        %dma_start3A_493 = tpu.memref_squeeze %dma_start3A_492 : memref<1x1x72xi32, #tpu.memory_space<vmem>> -> memref<72xi32, #tpu.memory_space<vmem>>
        %dma_start3A_494 = arith.constant 0 : i32
        %dma_start3A_495 = arith.constant 0 : i32
        %dma_start3A_496 = tpu.memref_slice %arg3[%dma_start3A_494, %dma_start3A_495] : memref<1000000x64xf32, #tpu.memory_space<hbm>> -> memref<1000000x64xf32, #tpu.memory_space<hbm>>
        tpu.enqueue_indirect_dma source(%dma_start3A_496 : memref<1000000x64xf32, #tpu.memory_space<hbm>>) target(%dma_start3A_490 : memref<72x64xf32, #tpu.memory_space<vmem>>) offsets(%dma_start3A_493 : memref<72xi32, #tpu.memory_space<vmem>>) semaphore(%arg8 : memref<!tpu.dma_semaphore, #tpu.memory_space<semaphore_mem>>)
        %dma_start3A_497 = arith.constant 1 : i32
        %dma_start3A_498 = arith.constant 3 : i32
        %dma_start3A_499 = arith.constant 1 : i32
        %dma_start3A_500 = arith.constant 600 : i32
        %dma_start3A_501 = arith.constant 0 : i32
        %dma_start3A_502 = tpu.memref_slice %arg6[%dma_start3A_499, %dma_start3A_500, %dma_start3A_501] : memref<2x800x64xf32, #tpu.memory_space<vmem>> -> memref<1x128x64xf32, #tpu.memory_space<vmem>>
        %dma_start3A_503 = tpu.memref_squeeze %dma_start3A_502 : memref<1x128x64xf32, #tpu.memory_space<vmem>> -> memref<128x64xf32, #tpu.memory_space<vmem>>
        %dma_start3A_504 = arith.constant 0 : i32
        %dma_start3A_505 = tpu.memref_slice %arg5[%dma_start3A_497, %dma_start3A_498, %dma_start3A_504] : memref<2x4x200xi32, #tpu.memory_space<vmem>> -> memref<1x1x128xi32, #tpu.memory_space<vmem>>
        %dma_start3A_506 = tpu.memref_squeeze %dma_start3A_505 : memref<1x1x128xi32, #tpu.memory_space<vmem>> -> memref<128xi32, #tpu.memory_space<vmem>>
        %dma_start3A_507 = arith.constant 0 : i32
        %dma_start3A_508 = arith.constant 0 : i32
        %dma_start3A_509 = tpu.memref_slice %arg3[%dma_start3A_507, %dma_start3A_508] : memref<1000000x64xf32, #tpu.memory_space<hbm>> -> memref<1000000x64xf32, #tpu.memory_space<hbm>>
        tpu.enqueue_indirect_dma source(%dma_start3A_509 : memref<1000000x64xf32, #tpu.memory_space<hbm>>) target(%dma_start3A_503 : memref<128x64xf32, #tpu.memory_space<vmem>>) offsets(%dma_start3A_506 : memref<128xi32, #tpu.memory_space<vmem>>) semaphore(%arg8 : memref<!tpu.dma_semaphore, #tpu.memory_space<semaphore_mem>>)
        %dma_start3A_510 = arith.constant 1 : i32
        %dma_start3A_511 = arith.constant 3 : i32
        %dma_start3A_512 = arith.constant 1 : i32
        %dma_start3A_513 = arith.constant 728 : i32
        %dma_start3A_514 = arith.constant 0 : i32
        %dma_start3A_515 = tpu.memref_slice %arg6[%dma_start3A_512, %dma_start3A_513, %dma_start3A_514] : memref<2x800x64xf32, #tpu.memory_space<vmem>> -> memref<1x72x64xf32, #tpu.memory_space<vmem>>
        %dma_start3A_516 = tpu.memref_squeeze %dma_start3A_515 : memref<1x72x64xf32, #tpu.memory_space<vmem>> -> memref<72x64xf32, #tpu.memory_space<vmem>>
        %dma_start3A_517 = arith.constant 128 : i32
        %dma_start3A_518 = tpu.memref_slice %arg5[%dma_start3A_510, %dma_start3A_511, %dma_start3A_517] : memref<2x4x200xi32, #tpu.memory_space<vmem>> -> memref<1x1x72xi32, #tpu.memory_space<vmem>>
        %dma_start3A_519 = tpu.memref_squeeze %dma_start3A_518 : memref<1x1x72xi32, #tpu.memory_space<vmem>> -> memref<72xi32, #tpu.memory_space<vmem>>
        %dma_start3A_520 = arith.constant 0 : i32
        %dma_start3A_521 = arith.constant 0 : i32
        %dma_start3A_522 = tpu.memref_slice %arg3[%dma_start3A_520, %dma_start3A_521] : memref<1000000x64xf32, #tpu.memory_space<hbm>> -> memref<1000000x64xf32, #tpu.memory_space<hbm>>
        tpu.enqueue_indirect_dma source(%dma_start3A_522 : memref<1000000x64xf32, #tpu.memory_space<hbm>>) target(%dma_start3A_516 : memref<72x64xf32, #tpu.memory_space<vmem>>) offsets(%dma_start3A_519 : memref<72xi32, #tpu.memory_space<vmem>>) semaphore(%arg8 : memref<!tpu.dma_semaphore, #tpu.memory_space<semaphore_mem>>)
      } else {
      }
      %dma_wait3A_151 = arith.constant 0 : i32
      %dma_wait3A_152 = arith.constant 0 : i32
      %dma_wait3A_153 = arith.constant 0 : i32
      %dma_wait3A_154 = arith.constant 0 : i32
      %dma_wait3A_155 = arith.constant 0 : i32
      %dma_wait3A_156 = tpu.memref_slice %arg6[%dma_wait3A_153, %dma_wait3A_154, %dma_wait3A_155] : memref<2x800x64xf32, #tpu.memory_space<vmem>> -> memref<1x128x64xf32, #tpu.memory_space<vmem>>
      %dma_wait3A_157 = tpu.memref_squeeze %dma_wait3A_156 : memref<1x128x64xf32, #tpu.memory_space<vmem>> -> memref<128x64xf32, #tpu.memory_space<vmem>>
      %dma_wait3A_158 = arith.constant 0 : i32
      %dma_wait3A_159 = tpu.memref_slice %arg5[%dma_wait3A_151, %dma_wait3A_152, %dma_wait3A_158] : memref<2x4x200xi32, #tpu.memory_space<vmem>> -> memref<1x1x128xi32, #tpu.memory_space<vmem>>
      %dma_wait3A_160 = tpu.memref_squeeze %dma_wait3A_159 : memref<1x1x128xi32, #tpu.memory_space<vmem>> -> memref<128xi32, #tpu.memory_space<vmem>>
      %dma_wait3A_161 = arith.constant 0 : i32
      %dma_wait3A_162 = arith.constant 0 : i32
      %dma_wait3A_163 = tpu.memref_slice %arg3[%dma_wait3A_161, %dma_wait3A_162] : memref<1000000x64xf32, #tpu.memory_space<hbm>> -> memref<1000000x64xf32, #tpu.memory_space<hbm>>
      tpu.wait_indirect_dma semaphore(%arg7 : memref<!tpu.dma_semaphore, #tpu.memory_space<semaphore_mem>>) src(%dma_wait3A_163 : memref<1000000x64xf32, #tpu.memory_space<hbm>>) dst(%dma_wait3A_157 : memref<128x64xf32, #tpu.memory_space<vmem>>)
      %dma_wait3A_164 = arith.constant 0 : i32
      %dma_wait3A_165 = arith.constant 0 : i32
      %dma_wait3A_166 = arith.constant 0 : i32
      %dma_wait3A_167 = arith.constant 128 : i32
      %dma_wait3A_168 = arith.constant 0 : i32
      %dma_wait3A_169 = tpu.memref_slice %arg6[%dma_wait3A_166, %dma_wait3A_167, %dma_wait3A_168] : memref<2x800x64xf32, #tpu.memory_space<vmem>> -> memref<1x72x64xf32, #tpu.memory_space<vmem>>
      %dma_wait3A_170 = tpu.memref_squeeze %dma_wait3A_169 : memref<1x72x64xf32, #tpu.memory_space<vmem>> -> memref<72x64xf32, #tpu.memory_space<vmem>>
      %dma_wait3A_171 = arith.constant 128 : i32
      %dma_wait3A_172 = tpu.memref_slice %arg5[%dma_wait3A_164, %dma_wait3A_165, %dma_wait3A_171] : memref<2x4x200xi32, #tpu.memory_space<vmem>> -> memref<1x1x72xi32, #tpu.memory_space<vmem>>
      %dma_wait3A_173 = tpu.memref_squeeze %dma_wait3A_172 : memref<1x1x72xi32, #tpu.memory_space<vmem>> -> memref<72xi32, #tpu.memory_space<vmem>>
      %dma_wait3A_174 = arith.constant 0 : i32
      %dma_wait3A_175 = arith.constant 0 : i32
      %dma_wait3A_176 = tpu.memref_slice %arg3[%dma_wait3A_174, %dma_wait3A_175] : memref<1000000x64xf32, #tpu.memory_space<hbm>> -> memref<1000000x64xf32, #tpu.memory_space<hbm>>
      tpu.wait_indirect_dma semaphore(%arg7 : memref<!tpu.dma_semaphore, #tpu.memory_space<semaphore_mem>>) src(%dma_wait3A_176 : memref<1000000x64xf32, #tpu.memory_space<hbm>>) dst(%dma_wait3A_170 : memref<72x64xf32, #tpu.memory_space<vmem>>)
      %dma_wait3A_177 = arith.constant 0 : i32
      %dma_wait3A_178 = arith.constant 1 : i32
      %dma_wait3A_179 = arith.constant 0 : i32
      %dma_wait3A_180 = arith.constant 200 : i32
      %dma_wait3A_181 = arith.constant 0 : i32
      %dma_wait3A_182 = tpu.memref_slice %arg6[%dma_wait3A_179, %dma_wait3A_180, %dma_wait3A_181] : memref<2x800x64xf32, #tpu.memory_space<vmem>> -> memref<1x128x64xf32, #tpu.memory_space<vmem>>
      %dma_wait3A_183 = tpu.memref_squeeze %dma_wait3A_182 : memref<1x128x64xf32, #tpu.memory_space<vmem>> -> memref<128x64xf32, #tpu.memory_space<vmem>>
      %dma_wait3A_184 = arith.constant 0 : i32
      %dma_wait3A_185 = tpu.memref_slice %arg5[%dma_wait3A_177, %dma_wait3A_178, %dma_wait3A_184] : memref<2x4x200xi32, #tpu.memory_space<vmem>> -> memref<1x1x128xi32, #tpu.memory_space<vmem>>
      %dma_wait3A_186 = tpu.memref_squeeze %dma_wait3A_185 : memref<1x1x128xi32, #tpu.memory_space<vmem>> -> memref<128xi32, #tpu.memory_space<vmem>>
      %dma_wait3A_187 = arith.constant 0 : i32
      %dma_wait3A_188 = arith.constant 0 : i32
      %dma_wait3A_189 = tpu.memref_slice %arg3[%dma_wait3A_187, %dma_wait3A_188] : memref<1000000x64xf32, #tpu.memory_space<hbm>> -> memref<1000000x64xf32, #tpu.memory_space<hbm>>
      tpu.wait_indirect_dma semaphore(%arg7 : memref<!tpu.dma_semaphore, #tpu.memory_space<semaphore_mem>>) src(%dma_wait3A_189 : memref<1000000x64xf32, #tpu.memory_space<hbm>>) dst(%dma_wait3A_183 : memref<128x64xf32, #tpu.memory_space<vmem>>)
      %dma_wait3A_190 = arith.constant 0 : i32
      %dma_wait3A_191 = arith.constant 1 : i32
      %dma_wait3A_192 = arith.constant 0 : i32
      %dma_wait3A_193 = arith.constant 328 : i32
      %dma_wait3A_194 = arith.constant 0 : i32
      %dma_wait3A_195 = tpu.memref_slice %arg6[%dma_wait3A_192, %dma_wait3A_193, %dma_wait3A_194] : memref<2x800x64xf32, #tpu.memory_space<vmem>> -> memref<1x72x64xf32, #tpu.memory_space<vmem>>
      %dma_wait3A_196 = tpu.memref_squeeze %dma_wait3A_195 : memref<1x72x64xf32, #tpu.memory_space<vmem>> -> memref<72x64xf32, #tpu.memory_space<vmem>>
      %dma_wait3A_197 = arith.constant 128 : i32
      %dma_wait3A_198 = tpu.memref_slice %arg5[%dma_wait3A_190, %dma_wait3A_191, %dma_wait3A_197] : memref<2x4x200xi32, #tpu.memory_space<vmem>> -> memref<1x1x72xi32, #tpu.memory_space<vmem>>
      %dma_wait3A_199 = tpu.memref_squeeze %dma_wait3A_198 : memref<1x1x72xi32, #tpu.memory_space<vmem>> -> memref<72xi32, #tpu.memory_space<vmem>>
      %dma_wait3A_200 = arith.constant 0 : i32
      %dma_wait3A_201 = arith.constant 0 : i32
      %dma_wait3A_202 = tpu.memref_slice %arg3[%dma_wait3A_200, %dma_wait3A_201] : memref<1000000x64xf32, #tpu.memory_space<hbm>> -> memref<1000000x64xf32, #tpu.memory_space<hbm>>
      tpu.wait_indirect_dma semaphore(%arg7 : memref<!tpu.dma_semaphore, #tpu.memory_space<semaphore_mem>>) src(%dma_wait3A_202 : memref<1000000x64xf32, #tpu.memory_space<hbm>>) dst(%dma_wait3A_196 : memref<72x64xf32, #tpu.memory_space<vmem>>)
      %dma_wait3A_203 = arith.constant 0 : i32
      %dma_wait3A_204 = arith.constant 2 : i32
      %dma_wait3A_205 = arith.constant 0 : i32
      %dma_wait3A_206 = arith.constant 400 : i32
      %dma_wait3A_207 = arith.constant 0 : i32
      %dma_wait3A_208 = tpu.memref_slice %arg6[%dma_wait3A_205, %dma_wait3A_206, %dma_wait3A_207] : memref<2x800x64xf32, #tpu.memory_space<vmem>> -> memref<1x128x64xf32, #tpu.memory_space<vmem>>
      %dma_wait3A_209 = tpu.memref_squeeze %dma_wait3A_208 : memref<1x128x64xf32, #tpu.memory_space<vmem>> -> memref<128x64xf32, #tpu.memory_space<vmem>>
      %dma_wait3A_210 = arith.constant 0 : i32
      %dma_wait3A_211 = tpu.memref_slice %arg5[%dma_wait3A_203, %dma_wait3A_204, %dma_wait3A_210] : memref<2x4x200xi32, #tpu.memory_space<vmem>> -> memref<1x1x128xi32, #tpu.memory_space<vmem>>
      %dma_wait3A_212 = tpu.memref_squeeze %dma_wait3A_211 : memref<1x1x128xi32, #tpu.memory_space<vmem>> -> memref<128xi32, #tpu.memory_space<vmem>>
      %dma_wait3A_213 = arith.constant 0 : i32
      %dma_wait3A_214 = arith.constant 0 : i32
      %dma_wait3A_215 = tpu.memref_slice %arg3[%dma_wait3A_213, %dma_wait3A_214] : memref<1000000x64xf32, #tpu.memory_space<hbm>> -> memref<1000000x64xf32, #tpu.memory_space<hbm>>
      tpu.wait_indirect_dma semaphore(%arg7 : memref<!tpu.dma_semaphore, #tpu.memory_space<semaphore_mem>>) src(%dma_wait3A_215 : memref<1000000x64xf32, #tpu.memory_space<hbm>>) dst(%dma_wait3A_209 : memref<128x64xf32, #tpu.memory_space<vmem>>)
      %dma_wait3A_216 = arith.constant 0 : i32
      %dma_wait3A_217 = arith.constant 2 : i32
      %dma_wait3A_218 = arith.constant 0 : i32
      %dma_wait3A_219 = arith.constant 528 : i32
      %dma_wait3A_220 = arith.constant 0 : i32
      %dma_wait3A_221 = tpu.memref_slice %arg6[%dma_wait3A_218, %dma_wait3A_219, %dma_wait3A_220] : memref<2x800x64xf32, #tpu.memory_space<vmem>> -> memref<1x72x64xf32, #tpu.memory_space<vmem>>
      %dma_wait3A_222 = tpu.memref_squeeze %dma_wait3A_221 : memref<1x72x64xf32, #tpu.memory_space<vmem>> -> memref<72x64xf32, #tpu.memory_space<vmem>>
      %dma_wait3A_223 = arith.constant 128 : i32
      %dma_wait3A_224 = tpu.memref_slice %arg5[%dma_wait3A_216, %dma_wait3A_217, %dma_wait3A_223] : memref<2x4x200xi32, #tpu.memory_space<vmem>> -> memref<1x1x72xi32, #tpu.memory_space<vmem>>
      %dma_wait3A_225 = tpu.memref_squeeze %dma_wait3A_224 : memref<1x1x72xi32, #tpu.memory_space<vmem>> -> memref<72xi32, #tpu.memory_space<vmem>>
      %dma_wait3A_226 = arith.constant 0 : i32
      %dma_wait3A_227 = arith.constant 0 : i32
      %dma_wait3A_228 = tpu.memref_slice %arg3[%dma_wait3A_226, %dma_wait3A_227] : memref<1000000x64xf32, #tpu.memory_space<hbm>> -> memref<1000000x64xf32, #tpu.memory_space<hbm>>
      tpu.wait_indirect_dma semaphore(%arg7 : memref<!tpu.dma_semaphore, #tpu.memory_space<semaphore_mem>>) src(%dma_wait3A_228 : memref<1000000x64xf32, #tpu.memory_space<hbm>>) dst(%dma_wait3A_222 : memref<72x64xf32, #tpu.memory_space<vmem>>)
      %dma_wait3A_229 = arith.constant 0 : i32
      %dma_wait3A_230 = arith.constant 3 : i32
      %dma_wait3A_231 = arith.constant 0 : i32
      %dma_wait3A_232 = arith.constant 600 : i32
      %dma_wait3A_233 = arith.constant 0 : i32
      %dma_wait3A_234 = tpu.memref_slice %arg6[%dma_wait3A_231, %dma_wait3A_232, %dma_wait3A_233] : memref<2x800x64xf32, #tpu.memory_space<vmem>> -> memref<1x128x64xf32, #tpu.memory_space<vmem>>
      %dma_wait3A_235 = tpu.memref_squeeze %dma_wait3A_234 : memref<1x128x64xf32, #tpu.memory_space<vmem>> -> memref<128x64xf32, #tpu.memory_space<vmem>>
      %dma_wait3A_236 = arith.constant 0 : i32
      %dma_wait3A_237 = tpu.memref_slice %arg5[%dma_wait3A_229, %dma_wait3A_230, %dma_wait3A_236] : memref<2x4x200xi32, #tpu.memory_space<vmem>> -> memref<1x1x128xi32, #tpu.memory_space<vmem>>
      %dma_wait3A_238 = tpu.memref_squeeze %dma_wait3A_237 : memref<1x1x128xi32, #tpu.memory_space<vmem>> -> memref<128xi32, #tpu.memory_space<vmem>>
      %dma_wait3A_239 = arith.constant 0 : i32
      %dma_wait3A_240 = arith.constant 0 : i32
      %dma_wait3A_241 = tpu.memref_slice %arg3[%dma_wait3A_239, %dma_wait3A_240] : memref<1000000x64xf32, #tpu.memory_space<hbm>> -> memref<1000000x64xf32, #tpu.memory_space<hbm>>
      tpu.wait_indirect_dma semaphore(%arg7 : memref<!tpu.dma_semaphore, #tpu.memory_space<semaphore_mem>>) src(%dma_wait3A_241 : memref<1000000x64xf32, #tpu.memory_space<hbm>>) dst(%dma_wait3A_235 : memref<128x64xf32, #tpu.memory_space<vmem>>)
      %dma_wait3A_242 = arith.constant 0 : i32
      %dma_wait3A_243 = arith.constant 3 : i32
      %dma_wait3A_244 = arith.constant 0 : i32
      %dma_wait3A_245 = arith.constant 728 : i32
      %dma_wait3A_246 = arith.constant 0 : i32
      %dma_wait3A_247 = tpu.memref_slice %arg6[%dma_wait3A_244, %dma_wait3A_245, %dma_wait3A_246] : memref<2x800x64xf32, #tpu.memory_space<vmem>> -> memref<1x72x64xf32, #tpu.memory_space<vmem>>
      %dma_wait3A_248 = tpu.memref_squeeze %dma_wait3A_247 : memref<1x72x64xf32, #tpu.memory_space<vmem>> -> memref<72x64xf32, #tpu.memory_space<vmem>>
      %dma_wait3A_249 = arith.constant 128 : i32
      %dma_wait3A_250 = tpu.memref_slice %arg5[%dma_wait3A_242, %dma_wait3A_243, %dma_wait3A_249] : memref<2x4x200xi32, #tpu.memory_space<vmem>> -> memref<1x1x72xi32, #tpu.memory_space<vmem>>
      %dma_wait3A_251 = tpu.memref_squeeze %dma_wait3A_250 : memref<1x1x72xi32, #tpu.memory_space<vmem>> -> memref<72xi32, #tpu.memory_space<vmem>>
      %dma_wait3A_252 = arith.constant 0 : i32
      %dma_wait3A_253 = arith.constant 0 : i32
      %dma_wait3A_254 = tpu.memref_slice %arg3[%dma_wait3A_252, %dma_wait3A_253] : memref<1000000x64xf32, #tpu.memory_space<hbm>> -> memref<1000000x64xf32, #tpu.memory_space<hbm>>
      tpu.wait_indirect_dma semaphore(%arg7 : memref<!tpu.dma_semaphore, #tpu.memory_space<semaphore_mem>>) src(%dma_wait3A_254 : memref<1000000x64xf32, #tpu.memory_space<hbm>>) dst(%dma_wait3A_248 : memref<72x64xf32, #tpu.memory_space<vmem>>)
      %parallel_loop3A = arith.constant 0 : i32
      %parallel_loop3A_255 = arith.constant 800 : i32
      %parallel_loop3A_256 = arith.constant 1 : i32
      scf.for %parallel_loop3A_411 = %parallel_loop3A to %parallel_loop3A_255 step %parallel_loop3A_256  : i32 {
        %parallel_loop3A_412 = arith.constant 0 : i32
        %parallel_loop3A_413 = arith.index_cast %parallel_loop3A_412 : i32 to index
        %parallel_loop3A_414 = arith.index_cast %parallel_loop3A_411 : i32 to index
        %parallel_loop3A_415 = arith.constant 0 : index
        %parallel_loop3A_416 = tpu.vector_load %arg6[%parallel_loop3A_413, %parallel_loop3A_414, %parallel_loop3A_415] {strides = array<i32>} : memref<2x800x64xf32, #tpu.memory_space<vmem>>, vector<1x1x16xf32>,
        %parallel_loop3A_417 = vector.shape_cast %parallel_loop3A_416 : vector<1x1x16xf32> to vector<16xf32>
        %parallel_loop3A_418 = arith.constant 8.000000e+00 : f32
        %parallel_loop3A_419 = vector.broadcast %parallel_loop3A_418 : f32 to vector<16xf32>
        %parallel_loop3A_420 = arith.mulf %parallel_loop3A_417, %parallel_loop3A_419 : vector<16xf32>
        %parallel_loop3A_421 = arith.constant 0 : i32
        %parallel_loop3A_422 = arith.index_cast %parallel_loop3A_421 : i32 to index
        %parallel_loop3A_423 = arith.index_cast %parallel_loop3A_411 : i32 to index
        %parallel_loop3A_424 = arith.constant 0 : index
        %parallel_loop3A_425 = tpu.vector_load %arg6[%parallel_loop3A_422, %parallel_loop3A_423, %parallel_loop3A_424] {strides = array<i32>} : memref<2x800x64xf32, #tpu.memory_space<vmem>>, vector<1x1x16xf32>,
        %parallel_loop3A_426 = vector.shape_cast %parallel_loop3A_425 : vector<1x1x16xf32> to vector<16xf32>
        %parallel_loop3A_427 = vector.shape_cast %parallel_loop3A_420 : vector<16xf32> to vector<1x1x16xf32>
        tpu.vector_store %arg6[%parallel_loop3A_422, %parallel_loop3A_423, %parallel_loop3A_424], %parallel_loop3A_427 {strides = array<i32>} : memref<2x800x64xf32, #tpu.memory_space<vmem>>, vector<1x1x16xf32>,
        %parallel_loop3A_428 = arith.constant 0 : i32
        %parallel_loop3A_429 = arith.index_cast %parallel_loop3A_428 : i32 to index
        %parallel_loop3A_430 = arith.index_cast %parallel_loop3A_411 : i32 to index
        %parallel_loop3A_431 = arith.constant 16 : index
        %parallel_loop3A_432 = tpu.vector_load %arg6[%parallel_loop3A_429, %parallel_loop3A_430, %parallel_loop3A_431] {strides = array<i32>} : memref<2x800x64xf32, #tpu.memory_space<vmem>>, vector<1x1x16xf32>,
        %parallel_loop3A_433 = vector.shape_cast %parallel_loop3A_432 : vector<1x1x16xf32> to vector<16xf32>
        %parallel_loop3A_434 = arith.constant 8.000000e+00 : f32
        %parallel_loop3A_435 = vector.broadcast %parallel_loop3A_434 : f32 to vector<16xf32>
        %parallel_loop3A_436 = arith.mulf %parallel_loop3A_433, %parallel_loop3A_435 : vector<16xf32>
        %parallel_loop3A_437 = arith.constant 0 : i32
        %parallel_loop3A_438 = arith.index_cast %parallel_loop3A_437 : i32 to index
        %parallel_loop3A_439 = arith.index_cast %parallel_loop3A_411 : i32 to index
        %parallel_loop3A_440 = arith.constant 16 : index
        %parallel_loop3A_441 = tpu.vector_load %arg6[%parallel_loop3A_438, %parallel_loop3A_439, %parallel_loop3A_440] {strides = array<i32>} : memref<2x800x64xf32, #tpu.memory_space<vmem>>, vector<1x1x16xf32>,
        %parallel_loop3A_442 = vector.shape_cast %parallel_loop3A_441 : vector<1x1x16xf32> to vector<16xf32>
        %parallel_loop3A_443 = vector.shape_cast %parallel_loop3A_436 : vector<16xf32> to vector<1x1x16xf32>
        tpu.vector_store %arg6[%parallel_loop3A_438, %parallel_loop3A_439, %parallel_loop3A_440], %parallel_loop3A_443 {strides = array<i32>} : memref<2x800x64xf32, #tpu.memory_space<vmem>>, vector<1x1x16xf32>,
        %parallel_loop3A_444 = arith.constant 0 : i32
        %parallel_loop3A_445 = arith.index_cast %parallel_loop3A_444 : i32 to index
        %parallel_loop3A_446 = arith.index_cast %parallel_loop3A_411 : i32 to index
        %parallel_loop3A_447 = arith.constant 32 : index
        %parallel_loop3A_448 = tpu.vector_load %arg6[%parallel_loop3A_445, %parallel_loop3A_446, %parallel_loop3A_447] {strides = array<i32>} : memref<2x800x64xf32, #tpu.memory_space<vmem>>, vector<1x1x16xf32>,
        %parallel_loop3A_449 = vector.shape_cast %parallel_loop3A_448 : vector<1x1x16xf32> to vector<16xf32>
        %parallel_loop3A_450 = arith.constant 8.000000e+00 : f32
        %parallel_loop3A_451 = vector.broadcast %parallel_loop3A_450 : f32 to vector<16xf32>
        %parallel_loop3A_452 = arith.mulf %parallel_loop3A_449, %parallel_loop3A_451 : vector<16xf32>
        %parallel_loop3A_453 = arith.constant 0 : i32
        %parallel_loop3A_454 = arith.index_cast %parallel_loop3A_453 : i32 to index
        %parallel_loop3A_455 = arith.index_cast %parallel_loop3A_411 : i32 to index
        %parallel_loop3A_456 = arith.constant 32 : index
        %parallel_loop3A_457 = tpu.vector_load %arg6[%parallel_loop3A_454, %parallel_loop3A_455, %parallel_loop3A_456] {strides = array<i32>} : memref<2x800x64xf32, #tpu.memory_space<vmem>>, vector<1x1x16xf32>,
        %parallel_loop3A_458 = vector.shape_cast %parallel_loop3A_457 : vector<1x1x16xf32> to vector<16xf32>
        %parallel_loop3A_459 = vector.shape_cast %parallel_loop3A_452 : vector<16xf32> to vector<1x1x16xf32>
        tpu.vector_store %arg6[%parallel_loop3A_454, %parallel_loop3A_455, %parallel_loop3A_456], %parallel_loop3A_459 {strides = array<i32>} : memref<2x800x64xf32, #tpu.memory_space<vmem>>, vector<1x1x16xf32>,
        %parallel_loop3A_460 = arith.constant 0 : i32
        %parallel_loop3A_461 = arith.index_cast %parallel_loop3A_460 : i32 to index
        %parallel_loop3A_462 = arith.index_cast %parallel_loop3A_411 : i32 to index
        %parallel_loop3A_463 = arith.constant 48 : index
        %parallel_loop3A_464 = tpu.vector_load %arg6[%parallel_loop3A_461, %parallel_loop3A_462, %parallel_loop3A_463] {strides = array<i32>} : memref<2x800x64xf32, #tpu.memory_space<vmem>>, vector<1x1x16xf32>,
        %parallel_loop3A_465 = vector.shape_cast %parallel_loop3A_464 : vector<1x1x16xf32> to vector<16xf32>
        %parallel_loop3A_466 = arith.constant 8.000000e+00 : f32
        %parallel_loop3A_467 = vector.broadcast %parallel_loop3A_466 : f32 to vector<16xf32>
        %parallel_loop3A_468 = arith.mulf %parallel_loop3A_465, %parallel_loop3A_467 : vector<16xf32>
        %parallel_loop3A_469 = arith.constant 0 : i32
        %parallel_loop3A_470 = arith.index_cast %parallel_loop3A_469 : i32 to index
        %parallel_loop3A_471 = arith.index_cast %parallel_loop3A_411 : i32 to index
        %parallel_loop3A_472 = arith.constant 48 : index
        %parallel_loop3A_473 = tpu.vector_load %arg6[%parallel_loop3A_470, %parallel_loop3A_471, %parallel_loop3A_472] {strides = array<i32>} : memref<2x800x64xf32, #tpu.memory_space<vmem>>, vector<1x1x16xf32>,
        %parallel_loop3A_474 = vector.shape_cast %parallel_loop3A_473 : vector<1x1x16xf32> to vector<16xf32>
        %parallel_loop3A_475 = vector.shape_cast %parallel_loop3A_468 : vector<16xf32> to vector<1x1x16xf32>
        tpu.vector_store %arg6[%parallel_loop3A_470, %parallel_loop3A_471, %parallel_loop3A_472], %parallel_loop3A_475 {strides = array<i32>} : memref<2x800x64xf32, #tpu.memory_space<vmem>>, vector<1x1x16xf32>,
      } {sc.loop_unroll_factor = 8 : i64, sc.parallel_access}
      %mul3A_257 = arith.constant 4 : i32
      %mul3A_258 = arith.muli %add3A_146, %mul3A_257 : i32
      %add3A_259 = arith.addi %mul3A_2, %mul3A_258 : i32
      %mul3A_260 = arith.constant 200 : i32
      %mul3A_261 = arith.muli %add3A_259, %mul3A_260 : i32
      %dma_start3A_262 = arith.constant 0 : i32
      %dma_start3A_263 = arith.constant 0 : i32
      %dma_start3A_264 = arith.constant 0 : i32
      %dma_start3A_265 = tpu.memref_slice %arg6[%dma_start3A_262, %dma_start3A_263, %dma_start3A_264] : memref<2x800x64xf32, #tpu.memory_space<vmem>> -> memref<1x800x64xf32, #tpu.memory_space<vmem>>
      %dma_start3A_266 = tpu.memref_squeeze %dma_start3A_265 : memref<1x800x64xf32, #tpu.memory_space<vmem>> -> memref<800x64xf32, #tpu.memory_space<vmem>>
      %dma_start3A_267 = arith.constant 0 : i32
      %dma_start3A_268 = tpu.memref_slice %arg4[%mul3A_261, %dma_start3A_267] : memref<819200x64xf32, #tpu.memory_space<hbm>> -> memref<800x64xf32, #tpu.memory_space<hbm>>
      %dma_start3A_269 = arith.constant 0 : i32
      %dma_start3A_270 = tpu.memref_slice %arg4[%mul3A_261, %dma_start3A_269] : memref<819200x64xf32, #tpu.memory_space<hbm>> -> memref<800x64xf32, #tpu.memory_space<hbm>>
      %dma_start3A_271 = arith.constant 0 : i32
      %dma_start3A_272 = arith.constant 0 : i32
      %dma_start3A_273 = tpu.memref_slice %arg6[%dma_start3A_262, %dma_start3A_271, %dma_start3A_272] : memref<2x800x64xf32, #tpu.memory_space<vmem>> -> memref<1x800x64xf32, #tpu.memory_space<vmem>>
      %dma_start3A_274 = tpu.memref_squeeze %dma_start3A_273 : memref<1x800x64xf32, #tpu.memory_space<vmem>> -> memref<800x64xf32, #tpu.memory_space<vmem>>
      tpu.enqueue_dma source(%dma_start3A_274 : memref<800x64xf32, #tpu.memory_space<vmem>>) target(%dma_start3A_270 : memref<800x64xf32, #tpu.memory_space<hbm>>) target_semaphore(%arg9 : memref<!tpu.dma_semaphore, #tpu.memory_space<semaphore_mem>>)
      %mul3A_275 = arith.constant 2 : i32
      %mul3A_276 = arith.muli %mul3A_275, %scan3A_142 : i32
      %add3A_277 = arith.constant 1 : i32
      %add3A_278 = arith.addi %mul3A_276, %add3A_277 : i32
      %add3A_279 = arith.constant 1 : i32
      %add3A_280 = arith.addi %add3A_278, %add3A_279 : i32
      %lt3A_281 = arith.constant 32 : i32
      %lt3A_282 = arith.cmpi slt, %add3A_280, %lt3A_281 : i32
      %convert_element_type3A_283 = arith.extui %lt3A_282 : i1 to i32
      %cond3A_284 = arith.constant 0 : i32
      %cond3A_285 = arith.cmpi ne, %convert_element_type3A_283, %cond3A_284 : i32
      scf.if %cond3A_285 {
        %ge3A = arith.constant 2 : i32
        %ge3A_411 = arith.cmpi sge, %add3A_280, %ge3A : i32
        %convert_element_type3A_412 = arith.extui %ge3A_411 : i1 to i32
        %cond3A_413 = arith.constant 0 : i32
        %cond3A_414 = arith.cmpi ne, %convert_element_type3A_412, %cond3A_413 : i32
        scf.if %cond3A_414 {
          %dma_wait3A_523 = arith.constant 0 : i32
          %dma_wait3A_524 = arith.constant 0 : i32
          %dma_wait3A_525 = arith.constant 0 : i32
          %dma_wait3A_526 = tpu.memref_slice %arg6[%dma_wait3A_523, %dma_wait3A_524, %dma_wait3A_525] : memref<2x800x64xf32, #tpu.memory_space<vmem>> -> memref<1x800x64xf32, #tpu.memory_space<vmem>>
          %dma_wait3A_527 = tpu.memref_squeeze %dma_wait3A_526 : memref<1x800x64xf32, #tpu.memory_space<vmem>> -> memref<800x64xf32, #tpu.memory_space<vmem>>
          %dma_wait3A_528 = arith.constant 0 : i32
          %dma_wait3A_529 = arith.constant 0 : i32
          %dma_wait3A_530 = tpu.memref_slice %arg4[%dma_wait3A_528, %dma_wait3A_529] : memref<819200x64xf32, #tpu.memory_space<hbm>> -> memref<800x64xf32, #tpu.memory_space<hbm>>
          %dma_wait3A_531 = arith.constant 0 : i32
          %dma_wait3A_532 = arith.constant 0 : i32
          %dma_wait3A_533 = tpu.memref_slice %arg4[%dma_wait3A_531, %dma_wait3A_532] : memref<819200x64xf32, #tpu.memory_space<hbm>> -> memref<800x64xf32, #tpu.memory_space<hbm>>
          %dma_wait3A_534 = arith.constant 0 : i32
          %dma_wait3A_535 = arith.constant 0 : i32
          %dma_wait3A_536 = tpu.memref_slice %arg6[%dma_wait3A_523, %dma_wait3A_534, %dma_wait3A_535] : memref<2x800x64xf32, #tpu.memory_space<vmem>> -> memref<1x800x64xf32, #tpu.memory_space<vmem>>
          %dma_wait3A_537 = tpu.memref_squeeze %dma_wait3A_536 : memref<1x800x64xf32, #tpu.memory_space<vmem>> -> memref<800x64xf32, #tpu.memory_space<vmem>>
          tpu.wait_dma2 semaphore(%arg9 : memref<!tpu.dma_semaphore, #tpu.memory_space<semaphore_mem>>) src(%dma_wait3A_537 : memref<800x64xf32, #tpu.memory_space<vmem>>) dst(%dma_wait3A_533 : memref<800x64xf32, #tpu.memory_space<hbm>>)
        } else {
        }
        %mul3A_415 = arith.constant 4 : i32
        %mul3A_416 = arith.muli %add3A_280, %mul3A_415 : i32
        %add3A_417 = arith.addi %mul3A_2, %mul3A_416 : i32
        %run_scoped3A_418 = arith.constant 0 : i32
        "tpu.region"() ({
          %run_scoped3A_523 = tpu.sem_alloc : memref<!tpu.dma_semaphore, #tpu.memory_space<semaphore_mem>>
          %dma_start3A_524 = arith.constant 0 : i32
          %dma_start3A_525 = arith.constant 0 : i32
          %dma_start3A_526 = tpu.memref_slice %arg5[%run_scoped3A_418, %dma_start3A_524, %dma_start3A_525] : memref<2x4x200xi32, #tpu.memory_space<vmem>> -> memref<1x4x200xi32, #tpu.memory_space<vmem>>
          %dma_start3A_527 = tpu.memref_squeeze %dma_start3A_526 : memref<1x4x200xi32, #tpu.memory_space<vmem>> -> memref<4x200xi32, #tpu.memory_space<vmem>>
          %dma_start3A_528 = arith.constant 0 : i32
          %dma_start3A_529 = tpu.memref_slice %arg2[%add3A_417, %dma_start3A_528] : memref<4096x200xi32, #tpu.memory_space<hbm>> -> memref<4x200xi32, #tpu.memory_space<hbm>>
          %dma_start3A_530 = arith.constant 0 : i32
          %dma_start3A_531 = arith.constant 0 : i32
          %dma_start3A_532 = tpu.memref_slice %arg5[%run_scoped3A_418, %dma_start3A_530, %dma_start3A_531] : memref<2x4x200xi32, #tpu.memory_space<vmem>> -> memref<1x4x200xi32, #tpu.memory_space<vmem>>
          %dma_start3A_533 = tpu.memref_squeeze %dma_start3A_532 : memref<1x4x200xi32, #tpu.memory_space<vmem>> -> memref<4x200xi32, #tpu.memory_space<vmem>>
          %dma_start3A_534 = arith.constant 0 : i32
          %dma_start3A_535 = tpu.memref_slice %arg2[%add3A_417, %dma_start3A_534] : memref<4096x200xi32, #tpu.memory_space<hbm>> -> memref<4x200xi32, #tpu.memory_space<hbm>>
          tpu.enqueue_dma source(%dma_start3A_535 : memref<4x200xi32, #tpu.memory_space<hbm>>) target(%dma_start3A_533 : memref<4x200xi32, #tpu.memory_space<vmem>>) target_semaphore(%run_scoped3A_523 : memref<!tpu.dma_semaphore, #tpu.memory_space<semaphore_mem>>)
          %dma_wait3A_536 = arith.constant 0 : i32
          %dma_wait3A_537 = arith.constant 0 : i32
          %dma_wait3A_538 = tpu.memref_slice %arg5[%run_scoped3A_418, %dma_wait3A_536, %dma_wait3A_537] : memref<2x4x200xi32, #tpu.memory_space<vmem>> -> memref<1x4x200xi32, #tpu.memory_space<vmem>>
          %dma_wait3A_539 = tpu.memref_squeeze %dma_wait3A_538 : memref<1x4x200xi32, #tpu.memory_space<vmem>> -> memref<4x200xi32, #tpu.memory_space<vmem>>
          %dma_wait3A_540 = arith.constant 0 : i32
          %dma_wait3A_541 = tpu.memref_slice %arg2[%add3A_417, %dma_wait3A_540] : memref<4096x200xi32, #tpu.memory_space<hbm>> -> memref<4x200xi32, #tpu.memory_space<hbm>>
          %dma_wait3A_542 = arith.constant 0 : i32
          %dma_wait3A_543 = arith.constant 0 : i32
          %dma_wait3A_544 = tpu.memref_slice %arg5[%run_scoped3A_418, %dma_wait3A_542, %dma_wait3A_543] : memref<2x4x200xi32, #tpu.memory_space<vmem>> -> memref<1x4x200xi32, #tpu.memory_space<vmem>>
          %dma_wait3A_545 = tpu.memref_squeeze %dma_wait3A_544 : memref<1x4x200xi32, #tpu.memory_space<vmem>> -> memref<4x200xi32, #tpu.memory_space<vmem>>
          %dma_wait3A_546 = arith.constant 0 : i32
          %dma_wait3A_547 = tpu.memref_slice %arg2[%add3A_417, %dma_wait3A_546] : memref<4096x200xi32, #tpu.memory_space<hbm>> -> memref<4x200xi32, #tpu.memory_space<hbm>>
          tpu.wait_dma2 semaphore(%run_scoped3A_523 : memref<!tpu.dma_semaphore, #tpu.memory_space<semaphore_mem>>) src(%dma_wait3A_547 : memref<4x200xi32, #tpu.memory_space<hbm>>) dst(%dma_wait3A_545 : memref<4x200xi32, #tpu.memory_space<vmem>>)
          tpu.yield
        }) : () -> ()
        %dma_start3A_419 = arith.constant 0 : i32
        %dma_start3A_420 = arith.constant 0 : i32
        %dma_start3A_421 = arith.constant 0 : i32
        %dma_start3A_422 = arith.constant 0 : i32
        %dma_start3A_423 = arith.constant 0 : i32
        %dma_start3A_424 = tpu.memref_slice %arg6[%dma_start3A_421, %dma_start3A_422, %dma_start3A_423] : memref<2x800x64xf32, #tpu.memory_space<vmem>> -> memref<1x128x64xf32, #tpu.memory_space<vmem>>
        %dma_start3A_425 = tpu.memref_squeeze %dma_start3A_424 : memref<1x128x64xf32, #tpu.memory_space<vmem>> -> memref<128x64xf32, #tpu.memory_space<vmem>>
        %dma_start3A_426 = arith.constant 0 : i32
        %dma_start3A_427 = tpu.memref_slice %arg5[%dma_start3A_419, %dma_start3A_420, %dma_start3A_426] : memref<2x4x200xi32, #tpu.memory_space<vmem>> -> memref<1x1x128xi32, #tpu.memory_space<vmem>>
        %dma_start3A_428 = tpu.memref_squeeze %dma_start3A_427 : memref<1x1x128xi32, #tpu.memory_space<vmem>> -> memref<128xi32, #tpu.memory_space<vmem>>
        %dma_start3A_429 = arith.constant 0 : i32
        %dma_start3A_430 = arith.constant 0 : i32
        %dma_start3A_431 = tpu.memref_slice %arg3[%dma_start3A_429, %dma_start3A_430] : memref<1000000x64xf32, #tpu.memory_space<hbm>> -> memref<1000000x64xf32, #tpu.memory_space<hbm>>
        tpu.enqueue_indirect_dma source(%dma_start3A_431 : memref<1000000x64xf32, #tpu.memory_space<hbm>>) target(%dma_start3A_425 : memref<128x64xf32, #tpu.memory_space<vmem>>) offsets(%dma_start3A_428 : memref<128xi32, #tpu.memory_space<vmem>>) semaphore(%arg7 : memref<!tpu.dma_semaphore, #tpu.memory_space<semaphore_mem>>)
        %dma_start3A_432 = arith.constant 0 : i32
        %dma_start3A_433 = arith.constant 0 : i32
        %dma_start3A_434 = arith.constant 0 : i32
        %dma_start3A_435 = arith.constant 128 : i32
        %dma_start3A_436 = arith.constant 0 : i32
        %dma_start3A_437 = tpu.memref_slice %arg6[%dma_start3A_434, %dma_start3A_435, %dma_start3A_436] : memref<2x800x64xf32, #tpu.memory_space<vmem>> -> memref<1x72x64xf32, #tpu.memory_space<vmem>>
        %dma_start3A_438 = tpu.memref_squeeze %dma_start3A_437 : memref<1x72x64xf32, #tpu.memory_space<vmem>> -> memref<72x64xf32, #tpu.memory_space<vmem>>
        %dma_start3A_439 = arith.constant 128 : i32
        %dma_start3A_440 = tpu.memref_slice %arg5[%dma_start3A_432, %dma_start3A_433, %dma_start3A_439] : memref<2x4x200xi32, #tpu.memory_space<vmem>> -> memref<1x1x72xi32, #tpu.memory_space<vmem>>
        %dma_start3A_441 = tpu.memref_squeeze %dma_start3A_440 : memref<1x1x72xi32, #tpu.memory_space<vmem>> -> memref<72xi32, #tpu.memory_space<vmem>>
        %dma_start3A_442 = arith.constant 0 : i32
        %dma_start3A_443 = arith.constant 0 : i32
        %dma_start3A_444 = tpu.memref_slice %arg3[%dma_start3A_442, %dma_start3A_443] : memref<1000000x64xf32, #tpu.memory_space<hbm>> -> memref<1000000x64xf32, #tpu.memory_space<hbm>>
        tpu.enqueue_indirect_dma source(%dma_start3A_444 : memref<1000000x64xf32, #tpu.memory_space<hbm>>) target(%dma_start3A_438 : memref<72x64xf32, #tpu.memory_space<vmem>>) offsets(%dma_start3A_441 : memref<72xi32, #tpu.memory_space<vmem>>) semaphore(%arg7 : memref<!tpu.dma_semaphore, #tpu.memory_space<semaphore_mem>>)
        %dma_start3A_445 = arith.constant 0 : i32
        %dma_start3A_446 = arith.constant 1 : i32
        %dma_start3A_447 = arith.constant 0 : i32
        %dma_start3A_448 = arith.constant 200 : i32
        %dma_start3A_449 = arith.constant 0 : i32
        %dma_start3A_450 = tpu.memref_slice %arg6[%dma_start3A_447, %dma_start3A_448, %dma_start3A_449] : memref<2x800x64xf32, #tpu.memory_space<vmem>> -> memref<1x128x64xf32, #tpu.memory_space<vmem>>
        %dma_start3A_451 = tpu.memref_squeeze %dma_start3A_450 : memref<1x128x64xf32, #tpu.memory_space<vmem>> -> memref<128x64xf32, #tpu.memory_space<vmem>>
        %dma_start3A_452 = arith.constant 0 : i32
        %dma_start3A_453 = tpu.memref_slice %arg5[%dma_start3A_445, %dma_start3A_446, %dma_start3A_452] : memref<2x4x200xi32, #tpu.memory_space<vmem>> -> memref<1x1x128xi32, #tpu.memory_space<vmem>>
        %dma_start3A_454 = tpu.memref_squeeze %dma_start3A_453 : memref<1x1x128xi32, #tpu.memory_space<vmem>> -> memref<128xi32, #tpu.memory_space<vmem>>
        %dma_start3A_455 = arith.constant 0 : i32
        %dma_start3A_456 = arith.constant 0 : i32
        %dma_start3A_457 = tpu.memref_slice %arg3[%dma_start3A_455, %dma_start3A_456] : memref<1000000x64xf32, #tpu.memory_space<hbm>> -> memref<1000000x64xf32, #tpu.memory_space<hbm>>
        tpu.enqueue_indirect_dma source(%dma_start3A_457 : memref<1000000x64xf32, #tpu.memory_space<hbm>>) target(%dma_start3A_451 : memref<128x64xf32, #tpu.memory_space<vmem>>) offsets(%dma_start3A_454 : memref<128xi32, #tpu.memory_space<vmem>>) semaphore(%arg7 : memref<!tpu.dma_semaphore, #tpu.memory_space<semaphore_mem>>)
        %dma_start3A_458 = arith.constant 0 : i32
        %dma_start3A_459 = arith.constant 1 : i32
        %dma_start3A_460 = arith.constant 0 : i32
        %dma_start3A_461 = arith.constant 328 : i32
        %dma_start3A_462 = arith.constant 0 : i32
        %dma_start3A_463 = tpu.memref_slice %arg6[%dma_start3A_460, %dma_start3A_461, %dma_start3A_462] : memref<2x800x64xf32, #tpu.memory_space<vmem>> -> memref<1x72x64xf32, #tpu.memory_space<vmem>>
        %dma_start3A_464 = tpu.memref_squeeze %dma_start3A_463 : memref<1x72x64xf32, #tpu.memory_space<vmem>> -> memref<72x64xf32, #tpu.memory_space<vmem>>
        %dma_start3A_465 = arith.constant 128 : i32
        %dma_start3A_466 = tpu.memref_slice %arg5[%dma_start3A_458, %dma_start3A_459, %dma_start3A_465] : memref<2x4x200xi32, #tpu.memory_space<vmem>> -> memref<1x1x72xi32, #tpu.memory_space<vmem>>
        %dma_start3A_467 = tpu.memref_squeeze %dma_start3A_466 : memref<1x1x72xi32, #tpu.memory_space<vmem>> -> memref<72xi32, #tpu.memory_space<vmem>>
        %dma_start3A_468 = arith.constant 0 : i32
        %dma_start3A_469 = arith.constant 0 : i32
        %dma_start3A_470 = tpu.memref_slice %arg3[%dma_start3A_468, %dma_start3A_469] : memref<1000000x64xf32, #tpu.memory_space<hbm>> -> memref<1000000x64xf32, #tpu.memory_space<hbm>>
        tpu.enqueue_indirect_dma source(%dma_start3A_470 : memref<1000000x64xf32, #tpu.memory_space<hbm>>) target(%dma_start3A_464 : memref<72x64xf32, #tpu.memory_space<vmem>>) offsets(%dma_start3A_467 : memref<72xi32, #tpu.memory_space<vmem>>) semaphore(%arg7 : memref<!tpu.dma_semaphore, #tpu.memory_space<semaphore_mem>>)
        %dma_start3A_471 = arith.constant 0 : i32
        %dma_start3A_472 = arith.constant 2 : i32
        %dma_start3A_473 = arith.constant 0 : i32
        %dma_start3A_474 = arith.constant 400 : i32
        %dma_start3A_475 = arith.constant 0 : i32
        %dma_start3A_476 = tpu.memref_slice %arg6[%dma_start3A_473, %dma_start3A_474, %dma_start3A_475] : memref<2x800x64xf32, #tpu.memory_space<vmem>> -> memref<1x128x64xf32, #tpu.memory_space<vmem>>
        %dma_start3A_477 = tpu.memref_squeeze %dma_start3A_476 : memref<1x128x64xf32, #tpu.memory_space<vmem>> -> memref<128x64xf32, #tpu.memory_space<vmem>>
        %dma_start3A_478 = arith.constant 0 : i32
        %dma_start3A_479 = tpu.memref_slice %arg5[%dma_start3A_471, %dma_start3A_472, %dma_start3A_478] : memref<2x4x200xi32, #tpu.memory_space<vmem>> -> memref<1x1x128xi32, #tpu.memory_space<vmem>>
        %dma_start3A_480 = tpu.memref_squeeze %dma_start3A_479 : memref<1x1x128xi32, #tpu.memory_space<vmem>> -> memref<128xi32, #tpu.memory_space<vmem>>
        %dma_start3A_481 = arith.constant 0 : i32
        %dma_start3A_482 = arith.constant 0 : i32
        %dma_start3A_483 = tpu.memref_slice %arg3[%dma_start3A_481, %dma_start3A_482] : memref<1000000x64xf32, #tpu.memory_space<hbm>> -> memref<1000000x64xf32, #tpu.memory_space<hbm>>
        tpu.enqueue_indirect_dma source(%dma_start3A_483 : memref<1000000x64xf32, #tpu.memory_space<hbm>>) target(%dma_start3A_477 : memref<128x64xf32, #tpu.memory_space<vmem>>) offsets(%dma_start3A_480 : memref<128xi32, #tpu.memory_space<vmem>>) semaphore(%arg7 : memref<!tpu.dma_semaphore, #tpu.memory_space<semaphore_mem>>)
        %dma_start3A_484 = arith.constant 0 : i32
        %dma_start3A_485 = arith.constant 2 : i32
        %dma_start3A_486 = arith.constant 0 : i32
        %dma_start3A_487 = arith.constant 528 : i32
        %dma_start3A_488 = arith.constant 0 : i32
        %dma_start3A_489 = tpu.memref_slice %arg6[%dma_start3A_486, %dma_start3A_487, %dma_start3A_488] : memref<2x800x64xf32, #tpu.memory_space<vmem>> -> memref<1x72x64xf32, #tpu.memory_space<vmem>>
        %dma_start3A_490 = tpu.memref_squeeze %dma_start3A_489 : memref<1x72x64xf32, #tpu.memory_space<vmem>> -> memref<72x64xf32, #tpu.memory_space<vmem>>
        %dma_start3A_491 = arith.constant 128 : i32
        %dma_start3A_492 = tpu.memref_slice %arg5[%dma_start3A_484, %dma_start3A_485, %dma_start3A_491] : memref<2x4x200xi32, #tpu.memory_space<vmem>> -> memref<1x1x72xi32, #tpu.memory_space<vmem>>
        %dma_start3A_493 = tpu.memref_squeeze %dma_start3A_492 : memref<1x1x72xi32, #tpu.memory_space<vmem>> -> memref<72xi32, #tpu.memory_space<vmem>>
        %dma_start3A_494 = arith.constant 0 : i32
        %dma_start3A_495 = arith.constant 0 : i32
        %dma_start3A_496 = tpu.memref_slice %arg3[%dma_start3A_494, %dma_start3A_495] : memref<1000000x64xf32, #tpu.memory_space<hbm>> -> memref<1000000x64xf32, #tpu.memory_space<hbm>>
        tpu.enqueue_indirect_dma source(%dma_start3A_496 : memref<1000000x64xf32, #tpu.memory_space<hbm>>) target(%dma_start3A_490 : memref<72x64xf32, #tpu.memory_space<vmem>>) offsets(%dma_start3A_493 : memref<72xi32, #tpu.memory_space<vmem>>) semaphore(%arg7 : memref<!tpu.dma_semaphore, #tpu.memory_space<semaphore_mem>>)
        %dma_start3A_497 = arith.constant 0 : i32
        %dma_start3A_498 = arith.constant 3 : i32
        %dma_start3A_499 = arith.constant 0 : i32
        %dma_start3A_500 = arith.constant 600 : i32
        %dma_start3A_501 = arith.constant 0 : i32
        %dma_start3A_502 = tpu.memref_slice %arg6[%dma_start3A_499, %dma_start3A_500, %dma_start3A_501] : memref<2x800x64xf32, #tpu.memory_space<vmem>> -> memref<1x128x64xf32, #tpu.memory_space<vmem>>
        %dma_start3A_503 = tpu.memref_squeeze %dma_start3A_502 : memref<1x128x64xf32, #tpu.memory_space<vmem>> -> memref<128x64xf32, #tpu.memory_space<vmem>>
        %dma_start3A_504 = arith.constant 0 : i32
        %dma_start3A_505 = tpu.memref_slice %arg5[%dma_start3A_497, %dma_start3A_498, %dma_start3A_504] : memref<2x4x200xi32, #tpu.memory_space<vmem>> -> memref<1x1x128xi32, #tpu.memory_space<vmem>>
        %dma_start3A_506 = tpu.memref_squeeze %dma_start3A_505 : memref<1x1x128xi32, #tpu.memory_space<vmem>> -> memref<128xi32, #tpu.memory_space<vmem>>
        %dma_start3A_507 = arith.constant 0 : i32
        %dma_start3A_508 = arith.constant 0 : i32
        %dma_start3A_509 = tpu.memref_slice %arg3[%dma_start3A_507, %dma_start3A_508] : memref<1000000x64xf32, #tpu.memory_space<hbm>> -> memref<1000000x64xf32, #tpu.memory_space<hbm>>
        tpu.enqueue_indirect_dma source(%dma_start3A_509 : memref<1000000x64xf32, #tpu.memory_space<hbm>>) target(%dma_start3A_503 : memref<128x64xf32, #tpu.memory_space<vmem>>) offsets(%dma_start3A_506 : memref<128xi32, #tpu.memory_space<vmem>>) semaphore(%arg7 : memref<!tpu.dma_semaphore, #tpu.memory_space<semaphore_mem>>)
        %dma_start3A_510 = arith.constant 0 : i32
        %dma_start3A_511 = arith.constant 3 : i32
        %dma_start3A_512 = arith.constant 0 : i32
        %dma_start3A_513 = arith.constant 728 : i32
        %dma_start3A_514 = arith.constant 0 : i32
        %dma_start3A_515 = tpu.memref_slice %arg6[%dma_start3A_512, %dma_start3A_513, %dma_start3A_514] : memref<2x800x64xf32, #tpu.memory_space<vmem>> -> memref<1x72x64xf32, #tpu.memory_space<vmem>>
        %dma_start3A_516 = tpu.memref_squeeze %dma_start3A_515 : memref<1x72x64xf32, #tpu.memory_space<vmem>> -> memref<72x64xf32, #tpu.memory_space<vmem>>
        %dma_start3A_517 = arith.constant 128 : i32
        %dma_start3A_518 = tpu.memref_slice %arg5[%dma_start3A_510, %dma_start3A_511, %dma_start3A_517] : memref<2x4x200xi32, #tpu.memory_space<vmem>> -> memref<1x1x72xi32, #tpu.memory_space<vmem>>
        %dma_start3A_519 = tpu.memref_squeeze %dma_start3A_518 : memref<1x1x72xi32, #tpu.memory_space<vmem>> -> memref<72xi32, #tpu.memory_space<vmem>>
        %dma_start3A_520 = arith.constant 0 : i32
        %dma_start3A_521 = arith.constant 0 : i32
        %dma_start3A_522 = tpu.memref_slice %arg3[%dma_start3A_520, %dma_start3A_521] : memref<1000000x64xf32, #tpu.memory_space<hbm>> -> memref<1000000x64xf32, #tpu.memory_space<hbm>>
        tpu.enqueue_indirect_dma source(%dma_start3A_522 : memref<1000000x64xf32, #tpu.memory_space<hbm>>) target(%dma_start3A_516 : memref<72x64xf32, #tpu.memory_space<vmem>>) offsets(%dma_start3A_519 : memref<72xi32, #tpu.memory_space<vmem>>) semaphore(%arg7 : memref<!tpu.dma_semaphore, #tpu.memory_space<semaphore_mem>>)
      } else {
      }
      %dma_wait3A_286 = arith.constant 1 : i32
      %dma_wait3A_287 = arith.constant 0 : i32
      %dma_wait3A_288 = arith.constant 1 : i32
      %dma_wait3A_289 = arith.constant 0 : i32
      %dma_wait3A_290 = arith.constant 0 : i32
      %dma_wait3A_291 = tpu.memref_slice %arg6[%dma_wait3A_288, %dma_wait3A_289, %dma_wait3A_290] : memref<2x800x64xf32, #tpu.memory_space<vmem>> -> memref<1x128x64xf32, #tpu.memory_space<vmem>>
      %dma_wait3A_292 = tpu.memref_squeeze %dma_wait3A_291 : memref<1x128x64xf32, #tpu.memory_space<vmem>> -> memref<128x64xf32, #tpu.memory_space<vmem>>
      %dma_wait3A_293 = arith.constant 0 : i32
      %dma_wait3A_294 = tpu.memref_slice %arg5[%dma_wait3A_286, %dma_wait3A_287, %dma_wait3A_293] : memref<2x4x200xi32, #tpu.memory_space<vmem>> -> memref<1x1x128xi32, #tpu.memory_space<vmem>>
      %dma_wait3A_295 = tpu.memref_squeeze %dma_wait3A_294 : memref<1x1x128xi32, #tpu.memory_space<vmem>> -> memref<128xi32, #tpu.memory_space<vmem>>
      %dma_wait3A_296 = arith.constant 0 : i32
      %dma_wait3A_297 = arith.constant 0 : i32
      %dma_wait3A_298 = tpu.memref_slice %arg3[%dma_wait3A_296, %dma_wait3A_297] : memref<1000000x64xf32, #tpu.memory_space<hbm>> -> memref<1000000x64xf32, #tpu.memory_space<hbm>>
      tpu.wait_indirect_dma semaphore(%arg8 : memref<!tpu.dma_semaphore, #tpu.memory_space<semaphore_mem>>) src(%dma_wait3A_298 : memref<1000000x64xf32, #tpu.memory_space<hbm>>) dst(%dma_wait3A_292 : memref<128x64xf32, #tpu.memory_space<vmem>>)
      %dma_wait3A_299 = arith.constant 1 : i32
      %dma_wait3A_300 = arith.constant 0 : i32
      %dma_wait3A_301 = arith.constant 1 : i32
      %dma_wait3A_302 = arith.constant 128 : i32
      %dma_wait3A_303 = arith.constant 0 : i32
      %dma_wait3A_304 = tpu.memref_slice %arg6[%dma_wait3A_301, %dma_wait3A_302, %dma_wait3A_303] : memref<2x800x64xf32, #tpu.memory_space<vmem>> -> memref<1x72x64xf32, #tpu.memory_space<vmem>>
      %dma_wait3A_305 = tpu.memref_squeeze %dma_wait3A_304 : memref<1x72x64xf32, #tpu.memory_space<vmem>> -> memref<72x64xf32, #tpu.memory_space<vmem>>
      %dma_wait3A_306 = arith.constant 128 : i32
      %dma_wait3A_307 = tpu.memref_slice %arg5[%dma_wait3A_299, %dma_wait3A_300, %dma_wait3A_306] : memref<2x4x200xi32, #tpu.memory_space<vmem>> -> memref<1x1x72xi32, #tpu.memory_space<vmem>>
      %dma_wait3A_308 = tpu.memref_squeeze %dma_wait3A_307 : memref<1x1x72xi32, #tpu.memory_space<vmem>> -> memref<72xi32, #tpu.memory_space<vmem>>
      %dma_wait3A_309 = arith.constant 0 : i32
      %dma_wait3A_310 = arith.constant 0 : i32
      %dma_wait3A_311 = tpu.memref_slice %arg3[%dma_wait3A_309, %dma_wait3A_310] : memref<1000000x64xf32, #tpu.memory_space<hbm>> -> memref<1000000x64xf32, #tpu.memory_space<hbm>>
      tpu.wait_indirect_dma semaphore(%arg8 : memref<!tpu.dma_semaphore, #tpu.memory_space<semaphore_mem>>) src(%dma_wait3A_311 : memref<1000000x64xf32, #tpu.memory_space<hbm>>) dst(%dma_wait3A_305 : memref<72x64xf32, #tpu.memory_space<vmem>>)
      %dma_wait3A_312 = arith.constant 1 : i32
      %dma_wait3A_313 = arith.constant 1 : i32
      %dma_wait3A_314 = arith.constant 1 : i32
      %dma_wait3A_315 = arith.constant 200 : i32
      %dma_wait3A_316 = arith.constant 0 : i32
      %dma_wait3A_317 = tpu.memref_slice %arg6[%dma_wait3A_314, %dma_wait3A_315, %dma_wait3A_316] : memref<2x800x64xf32, #tpu.memory_space<vmem>> -> memref<1x128x64xf32, #tpu.memory_space<vmem>>
      %dma_wait3A_318 = tpu.memref_squeeze %dma_wait3A_317 : memref<1x128x64xf32, #tpu.memory_space<vmem>> -> memref<128x64xf32, #tpu.memory_space<vmem>>
      %dma_wait3A_319 = arith.constant 0 : i32
      %dma_wait3A_320 = tpu.memref_slice %arg5[%dma_wait3A_312, %dma_wait3A_313, %dma_wait3A_319] : memref<2x4x200xi32, #tpu.memory_space<vmem>> -> memref<1x1x128xi32, #tpu.memory_space<vmem>>
      %dma_wait3A_321 = tpu.memref_squeeze %dma_wait3A_320 : memref<1x1x128xi32, #tpu.memory_space<vmem>> -> memref<128xi32, #tpu.memory_space<vmem>>
      %dma_wait3A_322 = arith.constant 0 : i32
      %dma_wait3A_323 = arith.constant 0 : i32
      %dma_wait3A_324 = tpu.memref_slice %arg3[%dma_wait3A_322, %dma_wait3A_323] : memref<1000000x64xf32, #tpu.memory_space<hbm>> -> memref<1000000x64xf32, #tpu.memory_space<hbm>>
      tpu.wait_indirect_dma semaphore(%arg8 : memref<!tpu.dma_semaphore, #tpu.memory_space<semaphore_mem>>) src(%dma_wait3A_324 : memref<1000000x64xf32, #tpu.memory_space<hbm>>) dst(%dma_wait3A_318 : memref<128x64xf32, #tpu.memory_space<vmem>>)
      %dma_wait3A_325 = arith.constant 1 : i32
      %dma_wait3A_326 = arith.constant 1 : i32
      %dma_wait3A_327 = arith.constant 1 : i32
      %dma_wait3A_328 = arith.constant 328 : i32
      %dma_wait3A_329 = arith.constant 0 : i32
      %dma_wait3A_330 = tpu.memref_slice %arg6[%dma_wait3A_327, %dma_wait3A_328, %dma_wait3A_329] : memref<2x800x64xf32, #tpu.memory_space<vmem>> -> memref<1x72x64xf32, #tpu.memory_space<vmem>>
      %dma_wait3A_331 = tpu.memref_squeeze %dma_wait3A_330 : memref<1x72x64xf32, #tpu.memory_space<vmem>> -> memref<72x64xf32, #tpu.memory_space<vmem>>
      %dma_wait3A_332 = arith.constant 128 : i32
      %dma_wait3A_333 = tpu.memref_slice %arg5[%dma_wait3A_325, %dma_wait3A_326, %dma_wait3A_332] : memref<2x4x200xi32, #tpu.memory_space<vmem>> -> memref<1x1x72xi32, #tpu.memory_space<vmem>>
      %dma_wait3A_334 = tpu.memref_squeeze %dma_wait3A_333 : memref<1x1x72xi32, #tpu.memory_space<vmem>> -> memref<72xi32, #tpu.memory_space<vmem>>
      %dma_wait3A_335 = arith.constant 0 : i32
      %dma_wait3A_336 = arith.constant 0 : i32
      %dma_wait3A_337 = tpu.memref_slice %arg3[%dma_wait3A_335, %dma_wait3A_336] : memref<1000000x64xf32, #tpu.memory_space<hbm>> -> memref<1000000x64xf32, #tpu.memory_space<hbm>>
      tpu.wait_indirect_dma semaphore(%arg8 : memref<!tpu.dma_semaphore, #tpu.memory_space<semaphore_mem>>) src(%dma_wait3A_337 : memref<1000000x64xf32, #tpu.memory_space<hbm>>) dst(%dma_wait3A_331 : memref<72x64xf32, #tpu.memory_space<vmem>>)
      %dma_wait3A_338 = arith.constant 1 : i32
      %dma_wait3A_339 = arith.constant 2 : i32
      %dma_wait3A_340 = arith.constant 1 : i32
      %dma_wait3A_341 = arith.constant 400 : i32
      %dma_wait3A_342 = arith.constant 0 : i32
      %dma_wait3A_343 = tpu.memref_slice %arg6[%dma_wait3A_340, %dma_wait3A_341, %dma_wait3A_342] : memref<2x800x64xf32, #tpu.memory_space<vmem>> -> memref<1x128x64xf32, #tpu.memory_space<vmem>>
      %dma_wait3A_344 = tpu.memref_squeeze %dma_wait3A_343 : memref<1x128x64xf32, #tpu.memory_space<vmem>> -> memref<128x64xf32, #tpu.memory_space<vmem>>
      %dma_wait3A_345 = arith.constant 0 : i32
      %dma_wait3A_346 = tpu.memref_slice %arg5[%dma_wait3A_338, %dma_wait3A_339, %dma_wait3A_345] : memref<2x4x200xi32, #tpu.memory_space<vmem>> -> memref<1x1x128xi32, #tpu.memory_space<vmem>>
      %dma_wait3A_347 = tpu.memref_squeeze %dma_wait3A_346 : memref<1x1x128xi32, #tpu.memory_space<vmem>> -> memref<128xi32, #tpu.memory_space<vmem>>
      %dma_wait3A_348 = arith.constant 0 : i32
      %dma_wait3A_349 = arith.constant 0 : i32
      %dma_wait3A_350 = tpu.memref_slice %arg3[%dma_wait3A_348, %dma_wait3A_349] : memref<1000000x64xf32, #tpu.memory_space<hbm>> -> memref<1000000x64xf32, #tpu.memory_space<hbm>>
      tpu.wait_indirect_dma semaphore(%arg8 : memref<!tpu.dma_semaphore, #tpu.memory_space<semaphore_mem>>) src(%dma_wait3A_350 : memref<1000000x64xf32, #tpu.memory_space<hbm>>) dst(%dma_wait3A_344 : memref<128x64xf32, #tpu.memory_space<vmem>>)
      %dma_wait3A_351 = arith.constant 1 : i32
      %dma_wait3A_352 = arith.constant 2 : i32
      %dma_wait3A_353 = arith.constant 1 : i32
      %dma_wait3A_354 = arith.constant 528 : i32
      %dma_wait3A_355 = arith.constant 0 : i32
      %dma_wait3A_356 = tpu.memref_slice %arg6[%dma_wait3A_353, %dma_wait3A_354, %dma_wait3A_355] : memref<2x800x64xf32, #tpu.memory_space<vmem>> -> memref<1x72x64xf32, #tpu.memory_space<vmem>>
      %dma_wait3A_357 = tpu.memref_squeeze %dma_wait3A_356 : memref<1x72x64xf32, #tpu.memory_space<vmem>> -> memref<72x64xf32, #tpu.memory_space<vmem>>
      %dma_wait3A_358 = arith.constant 128 : i32
      %dma_wait3A_359 = tpu.memref_slice %arg5[%dma_wait3A_351, %dma_wait3A_352, %dma_wait3A_358] : memref<2x4x200xi32, #tpu.memory_space<vmem>> -> memref<1x1x72xi32, #tpu.memory_space<vmem>>
      %dma_wait3A_360 = tpu.memref_squeeze %dma_wait3A_359 : memref<1x1x72xi32, #tpu.memory_space<vmem>> -> memref<72xi32, #tpu.memory_space<vmem>>
      %dma_wait3A_361 = arith.constant 0 : i32
      %dma_wait3A_362 = arith.constant 0 : i32
      %dma_wait3A_363 = tpu.memref_slice %arg3[%dma_wait3A_361, %dma_wait3A_362] : memref<1000000x64xf32, #tpu.memory_space<hbm>> -> memref<1000000x64xf32, #tpu.memory_space<hbm>>
      tpu.wait_indirect_dma semaphore(%arg8 : memref<!tpu.dma_semaphore, #tpu.memory_space<semaphore_mem>>) src(%dma_wait3A_363 : memref<1000000x64xf32, #tpu.memory_space<hbm>>) dst(%dma_wait3A_357 : memref<72x64xf32, #tpu.memory_space<vmem>>)
      %dma_wait3A_364 = arith.constant 1 : i32
      %dma_wait3A_365 = arith.constant 3 : i32
      %dma_wait3A_366 = arith.constant 1 : i32
      %dma_wait3A_367 = arith.constant 600 : i32
      %dma_wait3A_368 = arith.constant 0 : i32
      %dma_wait3A_369 = tpu.memref_slice %arg6[%dma_wait3A_366, %dma_wait3A_367, %dma_wait3A_368] : memref<2x800x64xf32, #tpu.memory_space<vmem>> -> memref<1x128x64xf32, #tpu.memory_space<vmem>>
      %dma_wait3A_370 = tpu.memref_squeeze %dma_wait3A_369 : memref<1x128x64xf32, #tpu.memory_space<vmem>> -> memref<128x64xf32, #tpu.memory_space<vmem>>
      %dma_wait3A_371 = arith.constant 0 : i32
      %dma_wait3A_372 = tpu.memref_slice %arg5[%dma_wait3A_364, %dma_wait3A_365, %dma_wait3A_371] : memref<2x4x200xi32, #tpu.memory_space<vmem>> -> memref<1x1x128xi32, #tpu.memory_space<vmem>>
      %dma_wait3A_373 = tpu.memref_squeeze %dma_wait3A_372 : memref<1x1x128xi32, #tpu.memory_space<vmem>> -> memref<128xi32, #tpu.memory_space<vmem>>
      %dma_wait3A_374 = arith.constant 0 : i32
      %dma_wait3A_375 = arith.constant 0 : i32
      %dma_wait3A_376 = tpu.memref_slice %arg3[%dma_wait3A_374, %dma_wait3A_375] : memref<1000000x64xf32, #tpu.memory_space<hbm>> -> memref<1000000x64xf32, #tpu.memory_space<hbm>>
      tpu.wait_indirect_dma semaphore(%arg8 : memref<!tpu.dma_semaphore, #tpu.memory_space<semaphore_mem>>) src(%dma_wait3A_376 : memref<1000000x64xf32, #tpu.memory_space<hbm>>) dst(%dma_wait3A_370 : memref<128x64xf32, #tpu.memory_space<vmem>>)
      %dma_wait3A_377 = arith.constant 1 : i32
      %dma_wait3A_378 = arith.constant 3 : i32
      %dma_wait3A_379 = arith.constant 1 : i32
      %dma_wait3A_380 = arith.constant 728 : i32
      %dma_wait3A_381 = arith.constant 0 : i32
      %dma_wait3A_382 = tpu.memref_slice %arg6[%dma_wait3A_379, %dma_wait3A_380, %dma_wait3A_381] : memref<2x800x64xf32, #tpu.memory_space<vmem>> -> memref<1x72x64xf32, #tpu.memory_space<vmem>>
      %dma_wait3A_383 = tpu.memref_squeeze %dma_wait3A_382 : memref<1x72x64xf32, #tpu.memory_space<vmem>> -> memref<72x64xf32, #tpu.memory_space<vmem>>
      %dma_wait3A_384 = arith.constant 128 : i32
      %dma_wait3A_385 = tpu.memref_slice %arg5[%dma_wait3A_377, %dma_wait3A_378, %dma_wait3A_384] : memref<2x4x200xi32, #tpu.memory_space<vmem>> -> memref<1x1x72xi32, #tpu.memory_space<vmem>>
      %dma_wait3A_386 = tpu.memref_squeeze %dma_wait3A_385 : memref<1x1x72xi32, #tpu.memory_space<vmem>> -> memref<72xi32, #tpu.memory_space<vmem>>
      %dma_wait3A_387 = arith.constant 0 : i32
      %dma_wait3A_388 = arith.constant 0 : i32
      %dma_wait3A_389 = tpu.memref_slice %arg3[%dma_wait3A_387, %dma_wait3A_388] : memref<1000000x64xf32, #tpu.memory_space<hbm>> -> memref<1000000x64xf32, #tpu.memory_space<hbm>>
      tpu.wait_indirect_dma semaphore(%arg8 : memref<!tpu.dma_semaphore, #tpu.memory_space<semaphore_mem>>) src(%dma_wait3A_389 : memref<1000000x64xf32, #tpu.memory_space<hbm>>) dst(%dma_wait3A_383 : memref<72x64xf32, #tpu.memory_space<vmem>>)
      %parallel_loop3A_390 = arith.constant 0 : i32
      %parallel_loop3A_391 = arith.constant 800 : i32
      %parallel_loop3A_392 = arith.constant 1 : i32
      scf.for %parallel_loop3A_411 = %parallel_loop3A_390 to %parallel_loop3A_391 step %parallel_loop3A_392  : i32 {
        %parallel_loop3A_412 = arith.constant 1 : i32
        %parallel_loop3A_413 = arith.index_cast %parallel_loop3A_412 : i32 to index
        %parallel_loop3A_414 = arith.index_cast %parallel_loop3A_411 : i32 to index
        %parallel_loop3A_415 = arith.constant 0 : index
        %parallel_loop3A_416 = tpu.vector_load %arg6[%parallel_loop3A_413, %parallel_loop3A_414, %parallel_loop3A_415] {strides = array<i32>} : memref<2x800x64xf32, #tpu.memory_space<vmem>>, vector<1x1x16xf32>,
        %parallel_loop3A_417 = vector.shape_cast %parallel_loop3A_416 : vector<1x1x16xf32> to vector<16xf32>
        %parallel_loop3A_418 = arith.constant 8.000000e+00 : f32
        %parallel_loop3A_419 = vector.broadcast %parallel_loop3A_418 : f32 to vector<16xf32>
        %parallel_loop3A_420 = arith.mulf %parallel_loop3A_417, %parallel_loop3A_419 : vector<16xf32>
        %parallel_loop3A_421 = arith.constant 1 : i32
        %parallel_loop3A_422 = arith.index_cast %parallel_loop3A_421 : i32 to index
        %parallel_loop3A_423 = arith.index_cast %parallel_loop3A_411 : i32 to index
        %parallel_loop3A_424 = arith.constant 0 : index
        %parallel_loop3A_425 = tpu.vector_load %arg6[%parallel_loop3A_422, %parallel_loop3A_423, %parallel_loop3A_424] {strides = array<i32>} : memref<2x800x64xf32, #tpu.memory_space<vmem>>, vector<1x1x16xf32>,
        %parallel_loop3A_426 = vector.shape_cast %parallel_loop3A_425 : vector<1x1x16xf32> to vector<16xf32>
        %parallel_loop3A_427 = vector.shape_cast %parallel_loop3A_420 : vector<16xf32> to vector<1x1x16xf32>
        tpu.vector_store %arg6[%parallel_loop3A_422, %parallel_loop3A_423, %parallel_loop3A_424], %parallel_loop3A_427 {strides = array<i32>} : memref<2x800x64xf32, #tpu.memory_space<vmem>>, vector<1x1x16xf32>,
        %parallel_loop3A_428 = arith.constant 1 : i32
        %parallel_loop3A_429 = arith.index_cast %parallel_loop3A_428 : i32 to index
        %parallel_loop3A_430 = arith.index_cast %parallel_loop3A_411 : i32 to index
        %parallel_loop3A_431 = arith.constant 16 : index
        %parallel_loop3A_432 = tpu.vector_load %arg6[%parallel_loop3A_429, %parallel_loop3A_430, %parallel_loop3A_431] {strides = array<i32>} : memref<2x800x64xf32, #tpu.memory_space<vmem>>, vector<1x1x16xf32>,
        %parallel_loop3A_433 = vector.shape_cast %parallel_loop3A_432 : vector<1x1x16xf32> to vector<16xf32>
        %parallel_loop3A_434 = arith.constant 8.000000e+00 : f32
        %parallel_loop3A_435 = vector.broadcast %parallel_loop3A_434 : f32 to vector<16xf32>
        %parallel_loop3A_436 = arith.mulf %parallel_loop3A_433, %parallel_loop3A_435 : vector<16xf32>
        %parallel_loop3A_437 = arith.constant 1 : i32
        %parallel_loop3A_438 = arith.index_cast %parallel_loop3A_437 : i32 to index
        %parallel_loop3A_439 = arith.index_cast %parallel_loop3A_411 : i32 to index
        %parallel_loop3A_440 = arith.constant 16 : index
        %parallel_loop3A_441 = tpu.vector_load %arg6[%parallel_loop3A_438, %parallel_loop3A_439, %parallel_loop3A_440] {strides = array<i32>} : memref<2x800x64xf32, #tpu.memory_space<vmem>>, vector<1x1x16xf32>,
        %parallel_loop3A_442 = vector.shape_cast %parallel_loop3A_441 : vector<1x1x16xf32> to vector<16xf32>
        %parallel_loop3A_443 = vector.shape_cast %parallel_loop3A_436 : vector<16xf32> to vector<1x1x16xf32>
        tpu.vector_store %arg6[%parallel_loop3A_438, %parallel_loop3A_439, %parallel_loop3A_440], %parallel_loop3A_443 {strides = array<i32>} : memref<2x800x64xf32, #tpu.memory_space<vmem>>, vector<1x1x16xf32>,
        %parallel_loop3A_444 = arith.constant 1 : i32
        %parallel_loop3A_445 = arith.index_cast %parallel_loop3A_444 : i32 to index
        %parallel_loop3A_446 = arith.index_cast %parallel_loop3A_411 : i32 to index
        %parallel_loop3A_447 = arith.constant 32 : index
        %parallel_loop3A_448 = tpu.vector_load %arg6[%parallel_loop3A_445, %parallel_loop3A_446, %parallel_loop3A_447] {strides = array<i32>} : memref<2x800x64xf32, #tpu.memory_space<vmem>>, vector<1x1x16xf32>,
        %parallel_loop3A_449 = vector.shape_cast %parallel_loop3A_448 : vector<1x1x16xf32> to vector<16xf32>
        %parallel_loop3A_450 = arith.constant 8.000000e+00 : f32
        %parallel_loop3A_451 = vector.broadcast %parallel_loop3A_450 : f32 to vector<16xf32>
        %parallel_loop3A_452 = arith.mulf %parallel_loop3A_449, %parallel_loop3A_451 : vector<16xf32>
        %parallel_loop3A_453 = arith.constant 1 : i32
        %parallel_loop3A_454 = arith.index_cast %parallel_loop3A_453 : i32 to index
        %parallel_loop3A_455 = arith.index_cast %parallel_loop3A_411 : i32 to index
        %parallel_loop3A_456 = arith.constant 32 : index
        %parallel_loop3A_457 = tpu.vector_load %arg6[%parallel_loop3A_454, %parallel_loop3A_455, %parallel_loop3A_456] {strides = array<i32>} : memref<2x800x64xf32, #tpu.memory_space<vmem>>, vector<1x1x16xf32>,
        %parallel_loop3A_458 = vector.shape_cast %parallel_loop3A_457 : vector<1x1x16xf32> to vector<16xf32>
        %parallel_loop3A_459 = vector.shape_cast %parallel_loop3A_452 : vector<16xf32> to vector<1x1x16xf32>
        tpu.vector_store %arg6[%parallel_loop3A_454, %parallel_loop3A_455, %parallel_loop3A_456], %parallel_loop3A_459 {strides = array<i32>} : memref<2x800x64xf32, #tpu.memory_space<vmem>>, vector<1x1x16xf32>,
        %parallel_loop3A_460 = arith.constant 1 : i32
        %parallel_loop3A_461 = arith.index_cast %parallel_loop3A_460 : i32 to index
        %parallel_loop3A_462 = arith.index_cast %parallel_loop3A_411 : i32 to index
        %parallel_loop3A_463 = arith.constant 48 : index
        %parallel_loop3A_464 = tpu.vector_load %arg6[%parallel_loop3A_461, %parallel_loop3A_462, %parallel_loop3A_463] {strides = array<i32>} : memref<2x800x64xf32, #tpu.memory_space<vmem>>, vector<1x1x16xf32>,
        %parallel_loop3A_465 = vector.shape_cast %parallel_loop3A_464 : vector<1x1x16xf32> to vector<16xf32>
        %parallel_loop3A_466 = arith.constant 8.000000e+00 : f32
        %parallel_loop3A_467 = vector.broadcast %parallel_loop3A_466 : f32 to vector<16xf32>
        %parallel_loop3A_468 = arith.mulf %parallel_loop3A_465, %parallel_loop3A_467 : vector<16xf32>
        %parallel_loop3A_469 = arith.constant 1 : i32
        %parallel_loop3A_470 = arith.index_cast %parallel_loop3A_469 : i32 to index
        %parallel_loop3A_471 = arith.index_cast %parallel_loop3A_411 : i32 to index
        %parallel_loop3A_472 = arith.constant 48 : index
        %parallel_loop3A_473 = tpu.vector_load %arg6[%parallel_loop3A_470, %parallel_loop3A_471, %parallel_loop3A_472] {strides = array<i32>} : memref<2x800x64xf32, #tpu.memory_space<vmem>>, vector<1x1x16xf32>,
        %parallel_loop3A_474 = vector.shape_cast %parallel_loop3A_473 : vector<1x1x16xf32> to vector<16xf32>
        %parallel_loop3A_475 = vector.shape_cast %parallel_loop3A_468 : vector<16xf32> to vector<1x1x16xf32>
        tpu.vector_store %arg6[%parallel_loop3A_470, %parallel_loop3A_471, %parallel_loop3A_472], %parallel_loop3A_475 {strides = array<i32>} : memref<2x800x64xf32, #tpu.memory_space<vmem>>, vector<1x1x16xf32>,
      } {sc.loop_unroll_factor = 8 : i64, sc.parallel_access}
      %mul3A_393 = arith.constant 4 : i32
      %mul3A_394 = arith.muli %add3A_278, %mul3A_393 : i32
      %add3A_395 = arith.addi %mul3A_2, %mul3A_394 : i32
      %mul3A_396 = arith.constant 200 : i32
      %mul3A_397 = arith.muli %add3A_395, %mul3A_396 : i32
      %dma_start3A_398 = arith.constant 1 : i32
      %dma_start3A_399 = arith.constant 0 : i32
      %dma_start3A_400 = arith.constant 0 : i32
      %dma_start3A_401 = tpu.memref_slice %arg6[%dma_start3A_398, %dma_start3A_399, %dma_start3A_400] : memref<2x800x64xf32, #tpu.memory_space<vmem>> -> memref<1x800x64xf32, #tpu.memory_space<vmem>>
      %dma_start3A_402 = tpu.memref_squeeze %dma_start3A_401 : memref<1x800x64xf32, #tpu.memory_space<vmem>> -> memref<800x64xf32, #tpu.memory_space<vmem>>
      %dma_start3A_403 = arith.constant 0 : i32
      %dma_start3A_404 = tpu.memref_slice %arg4[%mul3A_397, %dma_start3A_403] : memref<819200x64xf32, #tpu.memory_space<hbm>> -> memref<800x64xf32, #tpu.memory_space<hbm>>
      %dma_start3A_405 = arith.constant 0 : i32
      %dma_start3A_406 = tpu.memref_slice %arg4[%mul3A_397, %dma_start3A_405] : memref<819200x64xf32, #tpu.memory_space<hbm>> -> memref<800x64xf32, #tpu.memory_space<hbm>>
      %dma_start3A_407 = arith.constant 0 : i32
      %dma_start3A_408 = arith.constant 0 : i32
      %dma_start3A_409 = tpu.memref_slice %arg6[%dma_start3A_398, %dma_start3A_407, %dma_start3A_408] : memref<2x800x64xf32, #tpu.memory_space<vmem>> -> memref<1x800x64xf32, #tpu.memory_space<vmem>>
      %dma_start3A_410 = tpu.memref_squeeze %dma_start3A_409 : memref<1x800x64xf32, #tpu.memory_space<vmem>> -> memref<800x64xf32, #tpu.memory_space<vmem>>
      tpu.enqueue_dma source(%dma_start3A_410 : memref<800x64xf32, #tpu.memory_space<vmem>>) target(%dma_start3A_406 : memref<800x64xf32, #tpu.memory_space<hbm>>) target_semaphore(%arg10 : memref<!tpu.dma_semaphore, #tpu.memory_space<semaphore_mem>>)
    }
    %scan3A_112 = arith.constant 16 : i32
    %dma_wait3A = arith.constant 0 : i32
    %dma_wait3A_113 = arith.constant 0 : i32
    %dma_wait3A_114 = arith.constant 0 : i32
    %dma_wait3A_115 = tpu.memref_slice %arg6[%dma_wait3A, %dma_wait3A_113, %dma_wait3A_114] : memref<2x800x64xf32, #tpu.memory_space<vmem>> -> memref<1x800x64xf32, #tpu.memory_space<vmem>>
    %dma_wait3A_116 = tpu.memref_squeeze %dma_wait3A_115 : memref<1x800x64xf32, #tpu.memory_space<vmem>> -> memref<800x64xf32, #tpu.memory_space<vmem>>
    %dma_wait3A_117 = arith.constant 0 : i32
    %dma_wait3A_118 = arith.constant 0 : i32
    %dma_wait3A_119 = tpu.memref_slice %arg4[%dma_wait3A_117, %dma_wait3A_118] : memref<819200x64xf32, #tpu.memory_space<hbm>> -> memref<800x64xf32, #tpu.memory_space<hbm>>
    %dma_wait3A_120 = arith.constant 0 : i32
    %dma_wait3A_121 = arith.constant 0 : i32
    %dma_wait3A_122 = tpu.memref_slice %arg4[%dma_wait3A_120, %dma_wait3A_121] : memref<819200x64xf32, #tpu.memory_space<hbm>> -> memref<800x64xf32, #tpu.memory_space<hbm>>
    %dma_wait3A_123 = arith.constant 0 : i32
    %dma_wait3A_124 = arith.constant 0 : i32
    %dma_wait3A_125 = tpu.memref_slice %arg6[%dma_wait3A, %dma_wait3A_123, %dma_wait3A_124] : memref<2x800x64xf32, #tpu.memory_space<vmem>> -> memref<1x800x64xf32, #tpu.memory_space<vmem>>
    %dma_wait3A_126 = tpu.memref_squeeze %dma_wait3A_125 : memref<1x800x64xf32, #tpu.memory_space<vmem>> -> memref<800x64xf32, #tpu.memory_space<vmem>>
    tpu.wait_dma2 semaphore(%arg9 : memref<!tpu.dma_semaphore, #tpu.memory_space<semaphore_mem>>) src(%dma_wait3A_126 : memref<800x64xf32, #tpu.memory_space<vmem>>) dst(%dma_wait3A_122 : memref<800x64xf32, #tpu.memory_space<hbm>>)
    %dma_wait3A_127 = arith.constant 1 : i32
    %dma_wait3A_128 = arith.constant 0 : i32
    %dma_wait3A_129 = arith.constant 0 : i32
    %dma_wait3A_130 = tpu.memref_slice %arg6[%dma_wait3A_127, %dma_wait3A_128, %dma_wait3A_129] : memref<2x800x64xf32, #tpu.memory_space<vmem>> -> memref<1x800x64xf32, #tpu.memory_space<vmem>>
    %dma_wait3A_131 = tpu.memref_squeeze %dma_wait3A_130 : memref<1x800x64xf32, #tpu.memory_space<vmem>> -> memref<800x64xf32, #tpu.memory_space<vmem>>
    %dma_wait3A_132 = arith.constant 0 : i32
    %dma_wait3A_133 = arith.constant 0 : i32
    %dma_wait3A_134 = tpu.memref_slice %arg4[%dma_wait3A_132, %dma_wait3A_133] : memref<819200x64xf32, #tpu.memory_space<hbm>> -> memref<800x64xf32, #tpu.memory_space<hbm>>
    %dma_wait3A_135 = arith.constant 0 : i32
    %dma_wait3A_136 = arith.constant 0 : i32
    %dma_wait3A_137 = tpu.memref_slice %arg4[%dma_wait3A_135, %dma_wait3A_136] : memref<819200x64xf32, #tpu.memory_space<hbm>> -> memref<800x64xf32, #tpu.memory_space<hbm>>
    %dma_wait3A_138 = arith.constant 0 : i32
    %dma_wait3A_139 = arith.constant 0 : i32
    %dma_wait3A_140 = tpu.memref_slice %arg6[%dma_wait3A_127, %dma_wait3A_138, %dma_wait3A_139] : memref<2x800x64xf32, #tpu.memory_space<vmem>> -> memref<1x800x64xf32, #tpu.memory_space<vmem>>
    %dma_wait3A_141 = tpu.memref_squeeze %dma_wait3A_140 : memref<1x800x64xf32, #tpu.memory_space<vmem>> -> memref<800x64xf32, #tpu.memory_space<vmem>>
    tpu.wait_dma2 semaphore(%arg10 : memref<!tpu.dma_semaphore, #tpu.memory_space<semaphore_mem>>) src(%dma_wait3A_141 : memref<800x64xf32, #tpu.memory_space<vmem>>) dst(%dma_wait3A_137 : memref<800x64xf32, #tpu.memory_space<hbm>>)
    return
  }
}

</mosaic_0001>

<sc_bundles>
// kernel: kernel.3.cloned.1.call-start
scs
__scs_entry_jumppad:
0x0: {  	(pc) =	sbr.rel $0x88, $3  }
0x1: {  	(tag) =	ssettag $0x0;
	lr =	simm.s32 $0x1  }
0x2: {  	[smem:$0x3F9F] =	sst lr;
	_ =	strace $0xD0000000  }
0x3: {  	_ = 	snop  }
0x4: {  	_ = 	snop  }
0x5: {  	_ = 	snop  }
0x6: {  	_ = 	snop  }
0x7: {  	_ = 	snop  }
__scs_overlays_trampoline_lowered:
0x8: {  	[smem:$0x3FAE] =	sst s0  }
0x9: {  	[smem:$0x3FAF] =	sst s1  }
0xa: {  	[smem:$0x3FB0] =	sst s2  }
0xb: {  	[smem:$0x3FB1] =	sst s3  }
0xc: {  	[smem:$0x3FB2] =	sst s4  }
0xd: {  	[smem:$0x3FB3] =	sst s5  }
0xe: {  	[smem:$0x3FB4] =	sst s6  }
0xf: {  	[smem:$0x3FB5] =	sst s7  }
0x10: {  	[smem:$0x3FB6] =	sst s8  }
0x11: {  	[smem:$0x3FB7] =	sst s9;
	s0 =	simm.s32 @!p0 $0x0  }
0x12: {  	s1 =	sld [smem:$0x3F9D];
	s0 =	simm.s32 @p0 $0x1  }
0x13: {  	[smem:$0x3FB8] =	sst s0;
	s0 =	simm.s32 @!p1 $0x0  }
0x14: {  	s2 =	sld [smem:$0x3F9C];
	s0 =	simm.s32 @p1 $0x1  }
0x15: {  	[smem:$0x3FB9] =	sst s0;
	s0 =	simm.s32 @!p2 $0x0  }
0x16: {  	s3 =	sld [smem:$0x3FDB];
	s0 =	simm.s32 @p2 $0x1  }
0x17: {  	s4 =	simm.s32 $0x1BF5;
	[smem:$0x3FBB] =	sst s0  }
0x18: {  	s0 =	sld [smem:$0x3F9E];
	_ =	swait.ge [sflag:s4], $0x0  }
0x19: {  	s7 =	sld [smem:$0x3F9F]  }
0x1a: {  	s8 =	sadd.s32 $0xFFFFE003, lr  }
0x1b: {  	s9 =	sadd.s32 $0xFFFFFEF7, lr;
	s5 =	simm.s32 $0xFFFFFFFF;
	p2 =	slt.u32 s8, $0xFFFFF086  }
0x1c: {  	p1 =	slt.u32 s9, $0xF7A;
	s5 =	simm.s32 @!p2 $0x0  }
0x1d: {  	s5 =	simm.s32 @p1 $0x1;
	p0 =	seq.s32 s7, s2  }
0x1e: {  	s7 =	smul.u32 @!p0 $0xF7A, s2;
	p2 =	seq.s32 @!p0 s5, $0x0  }
0x1f: {  	s9 =	smul.u32 $0xF7A, s1;
	s8 =	simm.s32 @!p0 $0x1BF5;
	p2 =	por !p2, p0  }
0x20: {  	[sflag:s8] =	ssyncset.s32 @!p0 $0xFFFFF086;
	s6 =	sadd.s32 @!p0 s3, s7;
	s7 =	simm.s32 @!p0 $0x108  }
0x21: {  	s3 =	sadd.s32 s3, s9;
	s6 =	sadd.s32 @!p0 $0x88, s6;
	s7 =	simm.s32 @p2 $0x1082  }
0x22: {  	[simem:s7], [sflag:s8] =	dma.local @!p0 [hbm:s6], $0xF7A  }
0x23: {  	s9 =	sor.u32 $0xD0000000, s2;
	s6 =	simm.s32 $0x108;
	_ =	swait.ge @!p0 [sflag:s8], $0x0  }
0x24: {  	s3 =	sadd.s32 $0x88, s3;
	s6 =	simm.s32 @!p1 $0x1082;
	[sflag:s4] =	ssyncset.s32 $0xFFFFF086  }
0x25: {  	[simem:s6], [sflag:s4] =	dma.local [hbm:s3], $0xF7A  }
0x26: {  	[smem:$0x3F9F] =	sst s1;
	(tag) =	ssettag s2;
	_ =	strace s9  }
0x27: {  	s1 =	sld [smem:$0x3FAF]  }
0x28: {  	s2 =	sld [smem:$0x3FB0]  }
0x29: {  	s4 =	sld [smem:$0x3FB2]  }
0x2a: {  	p0 =	seq.s32 s5, $0x0;
	s5 =	sld [smem:$0x3FB3]  }
0x2b: {  	s6 =	sld [smem:$0x3FB4]  }
0x2c: {  	s7 =	sld [smem:$0x3FB5]  }
0x2d: {  	s3 =	simm.s32 $0x108;
	s8 =	sld [smem:$0x3FB6]  }
0x2e: {  	s3 =	simm.s32 @!p0 $0x1082;
	s9 =	sld [smem:$0x3FB7]  }
0x2f: {  	lr =	sadd.s32 s0, s3;
	s0 =	sld [smem:$0x3FAE]  }
0x30: {  	s3 =	sld [smem:$0x3FB1]  }
0x31: {  	[smem:$0x3FBA] =	sst s10  }
0x32: {  	s10 =	sld [smem:$0x3FB8];
	_ =	sdelay $0x3  }
0x33: {  	p0 =	seq.s32 s10, $0x1;
	s10 =	sld [smem:$0x3FBA];
	_ =	sdelay $0x3  }
0x34: {  	[smem:$0x3FBA] =	sst s10  }
0x35: {  	s10 =	sld [smem:$0x3FB9];
	_ =	sdelay $0x3  }
0x36: {  	p1 =	seq.s32 s10, $0x1;
	s10 =	sld [smem:$0x3FBA];
	_ =	sdelay $0x3  }
0x37: {  	[smem:$0x3FBA] =	sst s10  }
0x38: {  	s10 =	sld [smem:$0x3FBB]  }
0x39: {  	_ = 	snop;
	(pc) =	sbr.ind lr, $3  }
0x3a: {  	_ = 	snop  }
0x3b: {  	_ = 	snop  }
0x3c: {  	p2 =	seq.s32 s10, $0x1;
	s10 =	sld [smem:$0x3FBA]  }
0x3d: {  	_ =	shalt  }
0x3e: {  	_ =	shalt  }
0x3f: {  	_ =	shalt  }
0x40: {  	_ =	shalt  }
0x41: {  	_ =	shalt  }
0x42: {  	_ =	shalt  }
0x43: {  	_ =	shalt  }
0x44: {  	_ =	shalt  }
0x45: {  	_ =	shalt  }
0x46: {  	_ =	shalt  }
0x47: {  	_ =	shalt  }
0x48: {  	_ =	shalt  }
0x49: {  	_ =	shalt  }
0x4a: {  	_ =	shalt  }
0x4b: {  	_ =	shalt  }
0x4c: {  	_ =	shalt  }
0x4d: {  	_ =	shalt  }
0x4e: {  	_ =	shalt  }
0x4f: {  	_ =	shalt  }
0x50: {  	_ =	shalt  }
0x51: {  	_ =	shalt  }
0x52: {  	_ =	shalt  }
0x53: {  	_ =	shalt  }
0x54: {  	_ =	shalt  }
0x55: {  	_ =	shalt  }
0x56: {  	_ =	shalt  }
0x57: {  	_ =	shalt  }
0x58: {  	_ =	shalt  }
0x59: {  	_ =	shalt  }
0x5a: {  	_ =	shalt  }
0x5b: {  	_ =	shalt  }
0x5c: {  	_ =	shalt  }
0x5d: {  	_ =	shalt  }
0x5e: {  	_ =	shalt  }
0x5f: {  	_ =	shalt  }
0x60: {  	_ =	shalt  }
0x61: {  	_ =	shalt  }
0x62: {  	_ =	shalt  }
0x63: {  	_ =	shalt  }
0x64: {  	_ =	shalt  }
0x65: {  	_ =	shalt  }
0x66: {  	_ =	shalt  }
0x67: {  	_ =	shalt  }
0x68: {  	_ =	shalt  }
0x69: {  	_ =	shalt  }
0x6a: {  	_ =	shalt  }
0x6b: {  	_ =	shalt  }
0x6c: {  	_ =	shalt  }
0x6d: {  	_ =	shalt  }
0x6e: {  	_ =	shalt  }
0x6f: {  	_ =	shalt  }
0x70: {  	_ =	shalt  }
0x71: {  	_ =	shalt  }
0x72: {  	_ =	shalt  }
0x73: {  	_ =	shalt  }
0x74: {  	_ =	shalt  }
0x75: {  	_ =	shalt  }
0x76: {  	_ =	shalt  }
0x77: {  	_ =	shalt  }
0x78: {  	_ =	shalt  }
0x79: {  	_ =	shalt  }
0x7a: {  	_ =	shalt  }
0x7b: {  	_ =	shalt  }
0x7c: {  	_ =	shalt  }
0x7d: {  	_ =	shalt  }
0x7e: {  	_ =	shalt  }
0x7f: {  	_ =	shalt  }
0x80: {  	_ =	shalt  }
0x81: {  	_ =	shalt  }
0x82: {  	_ =	shalt  }
0x83: {  	_ =	shalt  }
0x84: {  	_ =	shalt  }
0x85: {  	_ =	shalt  }
0x86: {  	_ =	shalt  }
0x87: {  	_ =	shalt  }
.Lfunc_end0:
.L_simem_size_0:
called_computation.1_lowered:
.L_overlay_start_0:
0x88: {  	s2 =	sld [smem:$0x3FD9]  }
0x89: {  	s3 =	sld [smem:$0x3FFE];
	_ =	sdelay $0x1  }
0x8a: {  	s1 =	srdreg.scid  }
0x8b: {  	s0 =	sand.u32 $0x1, s1  }
0x8c: {  	s17 =	sshll.u32 s0, $0xA;
	s2 =	sadd.s32 s3, s2  }
0x8d: {  	s2 =	sadd.s32 s2, s17  }
0x8e: {  	[smem:$0x3FC6] =	sst s2  }
0x8f: {  	_ = 	snop  }
0x90: {  	s2 =	sld [smem:$0x3FD0];
	(tm) =	ssettm $0x1  }
0x91: {  	s18 =	sld [smem:$0x3FFB];
	_ =	sdelay $0x3  }
0x92: {  	_ =	strace s18  }
0x93: {  	s3 =	sld [smem:$0x3FFC];
	_ =	sdelay $0x3  }
0x94: {  	_ =	strace s3  }
0x95: {  	s3 =	sld [smem:$0x3FFD];
	_ =	sdelay $0x3  }
0x96: {  	_ =	strace s3  }
0x97: {  	_ =	strace $0x8FFFFFFF  }
0x98: {  	s19 =	sld [smem:$0x3FDB];
	_ =	sdelay $0x1  }
0x99: {  	s4 =	simm.s32 $_scs_section_size  }
0x9a: {  	s5 =	simm.s32 $_size__tile_overlayer_lowered;
	s6 =	simm.s32 $_tile_overlayer_lowered  }
0x9b: {  	s22 =	simm.s32 $0x1BFF;
	s21 =	sshll.u32 s6, $0x1;
	s3 =	sadd.s32 s4, s19  }
0x9c: {  	s7 =	simm.s32 $0x0;
	s20 =	sshll.u32 s5, $0x1;
	s5 =	sadd.s32 s21, s3  }
0x9d: {  	[timem:s7], [sflag:s22] =	dma.local [hbm:s5], s20  }
0x9e: {  	_ =	swait.ge [sflag:s22], s20  }
0x9f: {  	s4 =	ssub.s32 $0x0, s20;
	[sflag:s22] =	ssyncset.done $0x0  }
0xa0: {  	[sflag:s22] =	ssyncadd.s32 s4;
	_ =	sdelay $0x1  }
0xa1: {  	s23 =	simm.s32 $0x1B8B  }
0xa2: {  	_ =	swait.ge [sflag:s23], $0x1  }
0xa3: {  	[sflag:s23] =	ssyncset.done $0x0  }
0xa4: {  	s25 =	simm.s32 $0x1B8E;
	s24 =	sld [smem:$0x3FFE];
	[sflag:s23] =	ssyncadd.s32 $0xFFFFFFFF  }
0xa5: {  	s26 =	simm.s32 $execute0_lowered;
	[smem:$0x3FD2] =	sst s25  }
0xa6: {  	s5 =	sshll.u32 s26, $0x1;
	_ =	strace $0x80000046;
	[dreg:$0x1] =	wrdreg $0xFFFFFFFF  }
0xa7: {  	s28 =	simm.s32 $_size_execute0_lowered;
	s3 =	sadd.s32 s3, s5;
	[dreg:$0x0] =	wrdreg $0x0  }
0xa8: {  	s5 =	sshll.u32 s28, $0x1;
	[dreg:$0x2] =	wrdreg s3  }
0xa9: {  	[dreg:$0x3] =	wrdreg s5  }
0xaa: {  	[dreg:$0x4] =	wrdreg $0xC0  }
0xab: {  	_ =	task [dreg:s7], $0x5FFFF  }
0xac: {  	[dreg:$0x1] =	wrdreg $0xFFFFFFFF  }
0xad: {  	[dreg:$0x0] =	wrdreg $0x60  }
0xae: {  	[dreg:$0x2] =	wrdreg s24  }
0xaf: {  	[dreg:$0x3] =	wrdreg s2  }
0xb0: {  	[dreg:$0x4] =	wrdreg $0x9  }
0xb1: {  	_ =	task.clear_ibuf [dreg:s7], $0x5FFFF;
	_ =	strace $0x90000046  }
0xb2: {  	s29 =	simm.s32 $0x9;
	_ =	strace $0x80000048  }
0xb3: {  	_ =	swait.ge [sflag:s29], $0x1  }
0xb4: {  	[sflag:s29] =	ssyncadd.s32 $0xFFFFFFFF  }
0xb5: {  	_ =	strace $0x90000048  }
0xb6: {  	_ =	sfence  }
0xb7: {  	s30 =	sld [smem:$0x0];
	_ =	sdelay $0x2  }
0xb8: {  	s31 =	sshll.u32 s1, $0xD;
	s1 =	sshrl.u32 s1, $0x2  }
0xb9: {  	s3 =	sand.u32 $0x4000, s31;
	s1 =	sadd.s32 s1, s30  }
0xba: {  	s0 =	sor.u32 s3, s0;
	s1 =	sshll.u32 s1, $0x11  }
0xbb: {  	s0 =	sor.u32 s1, s0  }
0xbc: {  	s0 =	sadd.s32 $0x8F2B, s0  }
0xbd: {  	[sflag:s0] =	ssyncadd.remote.s32 $0x1  }
0xbe: {  	_ =	sfence.sel $0xFFFF  }
0xbf: {  	[dreg:$0x0] =	wrdreg $0xFFFFFFFF;
	(pc) =	sbr.abs _section_cstart, $3  }
0xc0: {  	[dreg:$0x1] =	wrdreg $0xFFFFFFFF  }
0xc1: {  	_ =	task.clear_ibuf [dreg:s7], $0x2FFFF;
	_ =	strace $0x9FFFFFFF  }
0xc2: {  	(tm) =	ssettm $0x7FFFFFFF  }
0xc3: {  	_ =	shalt  }
tec
execute0_lowered:
.L_overlay_start_1:
0x0: {  	(tag) =	ssettag $0x1  }
0x1: {  	s0 =	rddreg [dreg:$0x0]  }
0x2: {  	s2 =	rddreg [dreg:$0x1];
	s1 =	srdreg.scid  }
0x3: {  	s4 =	stileid.u32;
	s3 =	simm.s32 $0x0;
	s11 =	simm.s32 $0x5  }
0x4: {  	s12 =	simm.s32 $0x80;
	s13 =	simm.s32 $0x640;
	s14 =	simm.s32 $0x48  }
0x5: {  	s29 =	simm.s32 $0x320;
	s30 =	simm.s32 $0xCE40;
	s16 =	simm.s32 $0x468  }
0x6: {  	s17 =	simm.s32 $0x12040;
	s18 =	simm.s32 $0x4B0;
	s19 =	simm.s32 $0x13240  }
0x7: {  	s20 =	simm.s32 $0x530;
	s21 =	simm.s32 $0x15240;
	s22 =	simm.s32 $0x578  }
0x8: {  	s23 =	simm.s32 $0x16440;
	s24 =	simm.s32 $0x5F8;
	s25 =	simm.s32 $0x18440  }
0x9: {  	s28 =	simm.s32 $0x2;
	s1 =	sand.u32 $0x1, s1;
	s4 =	sshll.u32 s4, $0x8  }
0xa: {  	[smem:$0x7FF] =	sst s3;
	s5 =	sshll.u32 s1, $0x7;
	s1 =	ssub.s32 $0x2, s1  }
0xb: {  	s6 =	sadd.s32 $0xF42E00, s0;
	s4 =	sor.u32 s5, s4;
	s7 =	sshrl.u32 s1, $0x1  }
0xc: {  	_ =	strace $0x80000047;
	s8 =	smul.u32 $0x19, s4;
	s26 =	ssub.s32 s1, s7  }
0xd: {  	s5 =	sadd.s32 $0xA00, s0;
	s9 =	sor.u32 $0x8, s4;
	s0 =	smax.u32 s26, $0x1  }
0xe: {  	s7 =	simm.s32 $0x0;
	s31 =	sadd.s32 s5, s8;
	[dreg:$0x4] =	wrdreg s0  }
0xf: {  	s26 =	simm.s32 $0x1;
	s8 =	sor.u32 $0x4, s4;
	[dreg:$0x3] =	wrdreg s31  }
.LBB2_1:
0x10: {  	[dreg:$0x5] =	wrdreg s7  }
0x11: {  	s0 =	rddreg [dreg:$0x3]  }
0x12: {  	[tilespmem:s3], [sflag:$0x5] =	stream.linear.gather [hbm4b:s0+s3], $0x320, $0x38;
	[tilespmem:$0x19640] =	vst v63  }
0x13: {  	_ =	swait.ge [sflag:s11], $0x320  }
0x14: {  	[sflag:s11] =	ssyncset.done $0x0  }
0x15: {  	[sflag:s11] =	ssyncadd.s32 $0xFFFFFCE0  }
0x16: {  	[tilespmem:s13], [sflag:$0x1] =	stream.indirect.gather [hbm4b:s6+s12], $0x40, s3, s12, $0xb8;
	[tilespmem:$0x19640] =	vst v63  }
0x17: {  	s7 =	simm.s32 $0x2640  }
0x18: {  	[tilespmem:s7], [sflag:$0x1] =	stream.indirect.gather [hbm4b:s6+s14], $0x40, s12, s14, $0xb8;
	[tilespmem:$0x19640] =	vst v63  }
0x19: {  	s10 =	simm.s32 $0xC8;
	s1 =	simm.s32 $0x3840  }
0x1a: {  	[tilespmem:s1], [sflag:$0x1] =	stream.indirect.gather [hbm4b:s6+s12], $0x40, s10, s12, $0xb8;
	[tilespmem:$0x19640] =	vst v63  }
0x1b: {  	s15 =	simm.s32 $0x148;
	s31 =	simm.s32 $0x5840  }
0x1c: {  	[tilespmem:s31], [sflag:$0x1] =	stream.indirect.gather [hbm4b:s6+s14], $0x40, s15, s14, $0xb8;
	[tilespmem:$0x19640] =	vst v63  }
0x1d: {  	s7 =	simm.s32 $0x190;
	s10 =	simm.s32 $0x6A40  }
0x1e: {  	[tilespmem:s10], [sflag:$0x1] =	stream.indirect.gather [hbm4b:s6+s12], $0x40, s7, s12, $0xb8;
	[tilespmem:$0x19640] =	vst v63  }
0x1f: {  	s15 =	simm.s32 $0x210;
	s31 =	simm.s32 $0x8A40  }
0x20: {  	[tilespmem:s31], [sflag:$0x1] =	stream.indirect.gather [hbm4b:s6+s14], $0x40, s15, s14, $0xb8;
	[tilespmem:$0x19640] =	vst v63  }
0x21: {  	s7 =	simm.s32 $0x258;
	s10 =	simm.s32 $0x9C40  }
0x22: {  	[tilespmem:s10], [sflag:$0x1] =	stream.indirect.gather [hbm4b:s6+s12], $0x40, s7, s12, $0xb8;
	[tilespmem:$0x19640] =	vst v63  }
0x23: {  	s15 =	simm.s32 $0x2D8;
	s31 =	simm.s32 $0xBC40;
	s10 =	simm.s32 $0x0  }
0x24: {  	[tilespmem:s31], [sflag:$0x1] =	stream.indirect.gather [hbm4b:s6+s14], $0x40, s15, s14, $0xb8;
	[tilespmem:$0x19640] =	vst v63  }
.LBB2_2:
0x25: {  	s31 =	sshll.u32 s10, $0x3;
	p0 =	seq.s32 s10, $0x0  }
0x26: {  	s0 =	simm.s32 @!p0 $0x4;
	s7 =	sadd.s32 s8, s31  }
0x27: {  	_ =	swait.ge @!p0 [sflag:s0], $0xC800;
	s1 =	smul.u32 $0x19, s7  }
0x28: {  	[sflag:s0] =	ssyncset.done @!p0 $0x0  }
0x29: {  	[sflag:s0] =	ssyncadd.s32 @!p0 $0xFFFF3800;
	s15 =	sadd.s32 s5, s1  }
0x2a: {  	[tilespmem:s29], [sflag:$0x5] =	stream.linear.gather [hbm4b:s15+s3], $0x320, $0x38;
	[tilespmem:$0x19640] =	vst v63  }
0x2b: {  	_ =	swait.ge [sflag:s11], $0x320  }
0x2c: {  	[sflag:s11] =	ssyncset.done $0x0  }
0x2d: {  	[sflag:s11] =	ssyncadd.s32 $0xFFFFFCE0  }
0x2e: {  	[tilespmem:s30], [sflag:$0x2] =	stream.indirect.gather [hbm4b:s6+s12], $0x40, s29, s12, $0xb8;
	[tilespmem:$0x19640] =	vst v63  }
0x2f: {  	s1 =	simm.s32 $0x3A0;
	s15 =	simm.s32 $0xEE40  }
0x30: {  	[tilespmem:s15], [sflag:$0x2] =	stream.indirect.gather [hbm4b:s6+s14], $0x40, s1, s14, $0xb8;
	[tilespmem:$0x19640] =	vst v63  }
0x31: {  	s1 =	simm.s32 $0x3E8;
	s15 =	simm.s32 $0x10040  }
0x32: {  	[tilespmem:s15], [sflag:$0x2] =	stream.indirect.gather [hbm4b:s6+s12], $0x40, s1, s12, $0xb8;
	[tilespmem:$0x19640] =	vst v63  }
0x33: {  	_ = 	snop  }
0x34: {  	[tilespmem:s17], [sflag:$0x2] =	stream.indirect.gather [hbm4b:s6+s14], $0x40, s16, s14, $0xb8;
	[tilespmem:$0x19640] =	vst v63  }
0x35: {  	_ = 	snop  }
0x36: {  	[tilespmem:s19], [sflag:$0x2] =	stream.indirect.gather [hbm4b:s6+s12], $0x40, s18, s12, $0xb8;
	[tilespmem:$0x19640] =	vst v63  }
0x37: {  	_ = 	snop  }
0x38: {  	[tilespmem:s21], [sflag:$0x2] =	stream.indirect.gather [hbm4b:s6+s14], $0x40, s20, s14, $0xb8;
	[tilespmem:$0x19640] =	vst v63  }
0x39: {  	_ = 	snop  }
0x3a: {  	[tilespmem:s23], [sflag:$0x2] =	stream.indirect.gather [hbm4b:s6+s12], $0x40, s22, s12, $0xb8;
	[tilespmem:$0x19640] =	vst v63  }
0x3b: {  	_ = 	snop  }
0x3c: {  	[tilespmem:s25], [sflag:$0x2] =	stream.indirect.gather [hbm4b:s6+s14], $0x40, s24, s14, $0xb8;
	[tilespmem:$0x19640] =	vst v63  }
0x3d: {  	_ =	swait.ge [sflag:s26], $0x2000  }
0x3e: {  	[sflag:s26] =	ssyncset.done $0x0  }
0x3f: {  	[sflag:s26] =	ssyncadd.s32 $0xFFFFE000  }
0x40: {  	_ =	swait.ge [sflag:s26], $0x1200  }
0x41: {  	[sflag:s26] =	ssyncset.done $0x0  }
0x42: {  	[sflag:s26] =	ssyncadd.s32 $0xFFFFEE00  }
0x43: {  	_ =	swait.ge [sflag:s26], $0x2000  }
0x44: {  	[sflag:s26] =	ssyncset.done $0x0  }
0x45: {  	[sflag:s26] =	ssyncadd.s32 $0xFFFFE000  }
0x46: {  	_ =	swait.ge [sflag:s26], $0x1200  }
0x47: {  	[sflag:s26] =	ssyncset.done $0x0  }
0x48: {  	[sflag:s26] =	ssyncadd.s32 $0xFFFFEE00  }
0x49: {  	_ =	swait.ge [sflag:s26], $0x2000  }
0x4a: {  	[sflag:s26] =	ssyncset.done $0x0  }
0x4b: {  	[sflag:s26] =	ssyncadd.s32 $0xFFFFE000  }
0x4c: {  	_ =	swait.ge [sflag:s26], $0x1200  }
0x4d: {  	[sflag:s26] =	ssyncset.done $0x0  }
0x4e: {  	[sflag:s26] =	ssyncadd.s32 $0xFFFFEE00  }
0x4f: {  	_ =	swait.ge [sflag:s26], $0x2000  }
0x50: {  	[sflag:s26] =	ssyncset.done $0x0  }
0x51: {  	[sflag:s26] =	ssyncadd.s32 $0xFFFFE000  }
0x52: {  	_ =	swait.ge [sflag:s26], $0x1200  }
0x53: {  	[sflag:s26] =	ssyncset.done $0x0  }
0x54: {  	s0 =	simm.s32 $0x740;
	[sflag:s26] =	ssyncadd.s32 $0xFFFFEE00  }
0x55: {  	v0 =	vld [tilespmem:s0+$0xF0]  }
0x56: {  	v1 =	vld [tilespmem:s0+$0xFFFFFF10]  }
0x57: {  	v2 =	vld [tilespmem:s0+$0xFFFFFF20]  }
0x58: {  	v3 =	vld [tilespmem:s0+$0xFFFFFF30]  }
0x59: {  	v4 =	vld [tilespmem:s0+$0xFFFFFF40]  }
0x5a: {  	v5 =	vld [tilespmem:s0+$0xFFFFFF50];
	v0 =	vmul.f32 $8.000000000e+00, v0  }
0x5b: {  	v6 =	vld [tilespmem:s0+$0xFFFFFF60];
	v1 =	vmul.f32 $8.000000000e+00, v1  }
0x5c: {  	v7 =	vld [tilespmem:s0+$0xFFFFFF70];
	v2 =	vmul.f32 $8.000000000e+00, v2;
	[tilespmem:s0+$0xF0] =	vst v0  }
0x5d: {  	[tilespmem:s0+$0xFFFFFF10] =	vst v1;
	v0 =	vmul.f32 $8.000000000e+00, v3;
	v1 =	vld [tilespmem:s0+$0xFFFFFF80]  }
0x5e: {  	[tilespmem:s0+$0xFFFFFF20] =	vst v2;
	v2 =	vmul.f32 $8.000000000e+00, v4;
	v3 =	vld [tilespmem:s0+$0xFFFFFF90]  }
0x5f: {  	v4 =	vld [tilespmem:s0+$0xFFFFFFA0];
	[tilespmem:s0+$0xFFFFFF30] =	vst v0;
	v0 =	vmul.f32 $8.000000000e+00, v5  }
0x60: {  	[tilespmem:s0+$0xFFFFFF40] =	vst v2;
	v2 =	vmul.f32 $8.000000000e+00, v6;
	v5 =	vld [tilespmem:s0+$0xFFFFFFB0]  }
0x61: {  	v6 =	vld [tilespmem:s0+$0xFFFFFFC0];
	[tilespmem:s0+$0xFFFFFF50] =	vst v0;
	v0 =	vmul.f32 $8.000000000e+00, v7  }
0x62: {  	[tilespmem:s0+$0xFFFFFF60] =	vst v2;
	v2 =	vld [tilespmem:s0+$0xFFFFFFD0];
	v1 =	vmul.f32 $8.000000000e+00, v1  }
0x63: {  	[tilespmem:s0+$0xFFFFFF70] =	vst v0;
	v0 =	vmul.f32 $8.000000000e+00, v3;
	v3 =	vld [tilespmem:s0+$0xFFFFFFE0]  }
0x64: {  	[tilespmem:s0+$0xFFFFFF80] =	vst v1;
	v1 =	vmul.f32 $8.000000000e+00, v4;
	v4 =	vld [tilespmem:s0+$0xFFFFFFF0]  }
0x65: {  	[tilespmem:s0+$0xFFFFFF90] =	vst v0;
	v0 =	vmul.f32 $8.000000000e+00, v5;
	v5 =	vld [tilespmem:s0+$0x0]  }
0x66: {  	[tilespmem:s0+$0xFFFFFFA0] =	vst v1;
	v1 =	vmul.f32 $8.000000000e+00, v6;
	v6 =	vld [tilespmem:s0+$0x10]  }
0x67: {  	[tilespmem:s0+$0xFFFFFFB0] =	vst v0;
	v0 =	vmul.f32 $8.000000000e+00, v2;
	v2 =	vld [tilespmem:s0+$0x20]  }
0x68: {  	[tilespmem:s0+$0xFFFFFFC0] =	vst v1;
	v1 =	vmul.f32 $8.000000000e+00, v3;
	v3 =	vld [tilespmem:s0+$0x30]  }
0x69: {  	[tilespmem:s0+$0xFFFFFFD0] =	vst v0;
	v0 =	vmul.f32 $8.000000000e+00, v4;
	v4 =	vld [tilespmem:s0+$0x40]  }
0x6a: {  	[tilespmem:s0+$0xFFFFFFE0] =	vst v1;
	v1 =	vmul.f32 $8.000000000e+00, v5;
	v5 =	vld [tilespmem:s0+$0x50]  }
0x6b: {  	[tilespmem:s0+$0xFFFFFFF0] =	vst v0;
	v0 =	vmul.f32 $8.000000000e+00, v6;
	v6 =	vld [tilespmem:s0+$0x60]  }
0x6c: {  	[tilespmem:s0+$0x0] =	vst v1;
	v1 =	vmul.f32 $8.000000000e+00, v2;
	v2 =	vld [tilespmem:s0+$0x70]  }
0x6d: {  	[tilespmem:s0+$0x10] =	vst v0;
	v0 =	vmul.f32 $8.000000000e+00, v3;
	v3 =	vld [tilespmem:s0+$0x80]  }
0x6e: {  	[tilespmem:s0+$0x20] =	vst v1;
	v1 =	vmul.f32 $8.000000000e+00, v4;
	v4 =	vld [tilespmem:s0+$0x90]  }
0x6f: {  	v7 =	vld [tilespmem:s0+$0xA0];
	[tilespmem:s0+$0x30] =	vst v0;
	v5 =	vmul.f32 $8.000000000e+00, v5  }
0x70: {  	v0 =	vld [tilespmem:s0+$0xB0];
	[tilespmem:s0+$0x40] =	vst v1;
	v6 =	vmul.f32 $8.000000000e+00, v6  }
0x71: {  	v1 =	vld [tilespmem:s0+$0xC0];
	[tilespmem:s0+$0x50] =	vst v5;
	v5 =	vmul.f32 $8.000000000e+00, v2  }
0x72: {  	v2 =	vld [tilespmem:s0+$0xD0];
	[tilespmem:s0+$0x60] =	vst v6;
	v6 =	vmul.f32 $8.000000000e+00, v3  }
0x73: {  	v3 =	vld [tilespmem:s0+$0xE0];
	[tilespmem:s0+$0x70] =	vst v5;
	v5 =	vmul.f32 $8.000000000e+00, v4  }
0x74: {  	s1 =	simm.s32 $0x0;
	s15 =	simm.s32 $0x940;
	v4 =	vld [tilespmem:s0+$0xFFFFFF00];
	[tilespmem:s0+$0x80] =	vst v6;
	v6 =	vmul.f32 $8.000000000e+00, v7  }
.LBB2_3:
0x75: {  	v7 =	vld [tilespmem:s15+$0xF0];
	s1 =	sadd.s32 $0x8, s1;
	[tilespmem:s0+$0x90] =	vst v5;
	v0 =	vmul.f32 $8.000000000e+00, v0  }
0x76: {  	v5 =	vld [tilespmem:s15+$0xFFFFFF10];
	p0 =	slt.u32 s1, $0x318;
	[tilespmem:s0+$0xA0] =	vst v6;
	v1 =	vmul.f32 $8.000000000e+00, v1  }
0x77: {  	v6 =	vld [tilespmem:s15+$0xFFFFFF20];
	[tilespmem:s0+$0xB0] =	vst v0;
	v0 =	vmul.f32 $8.000000000e+00, v2  }
0x78: {  	v2 =	vld [tilespmem:s15+$0xFFFFFF30];
	[tilespmem:s0+$0xC0] =	vst v1;
	v1 =	vmul.f32 $8.000000000e+00, v3  }
0x79: {  	v3 =	vld [tilespmem:s15+$0xFFFFFF40];
	v4 =	vmul.f32 $8.000000000e+00, v4;
	[tilespmem:s0+$0xD0] =	vst v0  }
0x7a: {  	v0 =	vld [tilespmem:s15+$0xFFFFFF50];
	v7 =	vmul.f32 $8.000000000e+00, v7;
	[tilespmem:s0+$0xE0] =	vst v1  }
0x7b: {  	v1 =	vmul.f32 $8.000000000e+00, v5;
	v5 =	vld [tilespmem:s15+$0xFFFFFF60];
	[tilespmem:s0+$0xFFFFFF00] =	vst v4;
	s0 =	smov.u32 s15  }
0x7c: {  	v4 =	vmul.f32 $8.000000000e+00, v6;
	v6 =	vld [tilespmem:s15+$0xFFFFFF70];
	[tilespmem:s15+$0xF0] =	vst v7  }
0x7d: {  	[tilespmem:s15+$0xFFFFFF10] =	vst v1;
	v1 =	vmul.f32 $8.000000000e+00, v2;
	v2 =	vld [tilespmem:s15+$0xFFFFFF80]  }
0x7e: {  	[tilespmem:s15+$0xFFFFFF20] =	vst v4;
	v3 =	vmul.f32 $8.000000000e+00, v3;
	v4 =	vld [tilespmem:s15+$0xFFFFFF90]  }
0x7f: {  	[tilespmem:s15+$0xFFFFFF30] =	vst v1;
	v0 =	vmul.f32 $8.000000000e+00, v0;
	v1 =	vld [tilespmem:s15+$0xFFFFFFA0]  }
0x80: {  	[tilespmem:s15+$0xFFFFFF40] =	vst v3;
	v3 =	vmul.f32 $8.000000000e+00, v5;
	v5 =	vld [tilespmem:s15+$0xFFFFFFB0]  }
0x81: {  	[tilespmem:s15+$0xFFFFFF50] =	vst v0;
	v0 =	vmul.f32 $8.000000000e+00, v6;
	v6 =	vld [tilespmem:s15+$0xFFFFFFC0]  }
0x82: {  	[tilespmem:s15+$0xFFFFFF60] =	vst v3;
	v2 =	vmul.f32 $8.000000000e+00, v2;
	v3 =	vld [tilespmem:s15+$0xFFFFFFD0]  }
0x83: {  	[tilespmem:s15+$0xFFFFFF70] =	vst v0;
	v0 =	vmul.f32 $8.000000000e+00, v4;
	v4 =	vld [tilespmem:s15+$0xFFFFFFE0]  }
0x84: {  	[tilespmem:s15+$0xFFFFFF80] =	vst v2;
	v1 =	vmul.f32 $8.000000000e+00, v1;
	v2 =	vld [tilespmem:s15+$0xFFFFFFF0]  }
0x85: {  	[tilespmem:s15+$0xFFFFFF90] =	vst v0;
	v0 =	vmul.f32 $8.000000000e+00, v5;
	v5 =	vld [tilespmem:s15+$0x0]  }
0x86: {  	[tilespmem:s15+$0xFFFFFFA0] =	vst v1;
	v1 =	vmul.f32 $8.000000000e+00, v6;
	v6 =	vld [tilespmem:s15+$0x10]  }
0x87: {  	[tilespmem:s15+$0xFFFFFFB0] =	vst v0;
	v0 =	vmul.f32 $8.000000000e+00, v3;
	v3 =	vld [tilespmem:s15+$0x20]  }
0x88: {  	[tilespmem:s15+$0xFFFFFFC0] =	vst v1;
	v1 =	vmul.f32 $8.000000000e+00, v4;
	v4 =	vld [tilespmem:s15+$0x30]  }
0x89: {  	[tilespmem:s15+$0xFFFFFFD0] =	vst v0;
	v0 =	vmul.f32 $8.000000000e+00, v2;
	v2 =	vld [tilespmem:s15+$0x40]  }
0x8a: {  	[tilespmem:s15+$0xFFFFFFE0] =	vst v1;
	v1 =	vmul.f32 $8.000000000e+00, v5;
	v5 =	vld [tilespmem:s15+$0x50]  }
0x8b: {  	[tilespmem:s15+$0xFFFFFFF0] =	vst v0;
	v0 =	vmul.f32 $8.000000000e+00, v6;
	v6 =	vld [tilespmem:s15+$0x60]  }
0x8c: {  	[tilespmem:s15+$0x0] =	vst v1;
	v1 =	vmul.f32 $8.000000000e+00, v3;
	v3 =	vld [tilespmem:s15+$0x70]  }
0x8d: {  	[tilespmem:s15+$0x10] =	vst v0;
	v0 =	vmul.f32 $8.000000000e+00, v4;
	v4 =	vld [tilespmem:s15+$0x80]  }
0x8e: {  	[tilespmem:s15+$0x20] =	vst v1;
	v1 =	vmul.f32 $8.000000000e+00, v2;
	v7 =	vld [tilespmem:s15+$0x90]  }
0x8f: {  	[tilespmem:s15+$0x30] =	vst v0;
	v2 =	vmul.f32 $8.000000000e+00, v5;
	v8 =	vld [tilespmem:s15+$0xA0]  }
.Ltmp0:
0x90: {  	[tilespmem:s15+$0x40] =	vst v1;
	v5 =	vmul.f32 $8.000000000e+00, v6;
	v0 =	vld [tilespmem:s15+$0xB0];
	(pc) =	sbr.rel @p0 .LBB2_3-.Ltmp0, $4  }
0x91: {  	[tilespmem:s15+$0x50] =	vst v2;
	v3 =	vmul.f32 $8.000000000e+00, v3;
	v1 =	vld [tilespmem:s15+$0xC0]  }
0x92: {  	[tilespmem:s15+$0x60] =	vst v5;
	v6 =	vmul.f32 $8.000000000e+00, v4;
	v2 =	vld [tilespmem:s15+$0xD0]  }
0x93: {  	[tilespmem:s15+$0x70] =	vst v3;
	v5 =	vmul.f32 $8.000000000e+00, v7;
	v3 =	vld [tilespmem:s15+$0xE0]  }
0x94: {  	s15 =	sadd.s32 $0x200, s15;
	v4 =	vld [tilespmem:s0+$0xFFFFFF00];
	[tilespmem:s0+$0x80] =	vst v6;
	v6 =	vmul.f32 $8.000000000e+00, v8  }
0x95: {  	[tilespmem:s0+$0x90] =	vst v5;
	v0 =	vmul.f32 $8.000000000e+00, v0  }
0x96: {  	[tilespmem:s0+$0xA0] =	vst v6;
	v1 =	vmul.f32 $8.000000000e+00, v1  }
0x97: {  	[tilespmem:s0+$0xB0] =	vst v0;
	v0 =	vmul.f32 $8.000000000e+00, v2  }
0x98: {  	s1 =	sadd.s32 s4, s31;
	[tilespmem:s0+$0xC0] =	vst v1;
	v1 =	vmul.f32 $8.000000000e+00, v3  }
0x99: {  	s1 =	smul.u32 $0x640, s1;
	v2 =	vmul.f32 $8.000000000e+00, v4;
	[tilespmem:s0+$0xD0] =	vst v0  }
0x9a: {  	p0 =	seq.s32 s10, $0xF;
	[tilespmem:s0+$0xE0] =	vst v1  }
0x9b: {  	s15 =	sadd.s32 s2, s1;
	s1 =	sadd.s32 @!p0 s31, s9;
	[tilespmem:s0+$0xFFFFFF00] =	vst v2;
	s0 =	simm.s32 @!p0 $0x3  }
0x9c: {  	[hbm4b:s15+s3] =	stream.linear.scatter [tilespmem:s13], [sflag:$0x3], $0xC800, $0x38;
	[tilespmem:$0x19640] =	vst v63  }
0x9d: {  	s1 =	smul.u32 @!p0 $0x19, s1;
	_ =	swait.ge @!p0 [sflag:s0], $0xC800  }
0x9e: {  	[sflag:s0] =	ssyncset.done @!p0 $0x0  }
0x9f: {  	[sflag:s0] =	ssyncadd.s32 @!p0 $0xFFFF3800;
	s0 =	sadd.s32 @!p0 s5, s1;
	s1 =	simm.s32 @!p0 $0x0  }
0xa0: {  	[tilespmem:s1], [sflag:$0x5] =	stream.linear.gather @!p0 [hbm4b:s0+s1], $0x320, $0x38;
	[tilespmem:$0x19640] =	vst v63  }
0xa1: {  	s0 =	simm.s32 @!p0 $0x5  }
0xa2: {  	_ =	swait.ge @!p0 [sflag:s0], $0x320  }
0xa3: {  	[sflag:s0] =	ssyncset.done @!p0 $0x0  }
0xa4: {  	s15 =	simm.s32 @!p0 $0x640;
	[sflag:s0] =	ssyncadd.s32 @!p0 $0xFFFFFCE0;
	s0 =	simm.s32 @!p0 $0x80  }
0xa5: {  	[tilespmem:s15], [sflag:$0x1] =	stream.indirect.gather @!p0 [hbm4b:s6+s0], $0x40, s1, s0, $0xb8;
	[tilespmem:$0x19640] =	vst v63  }
0xa6: {  	s1 =	simm.s32 @!p0 $0x48;
	s15 =	simm.s32 @!p0 $0x2640  }
0xa7: {  	[tilespmem:s15], [sflag:$0x1] =	stream.indirect.gather @!p0 [hbm4b:s6+s1], $0x40, s0, s1, $0xb8;
	[tilespmem:$0x19640] =	vst v63  }
0xa8: {  	s31 =	simm.s32 @!p0 $0x3840;
	s15 =	simm.s32 @!p0 $0xC8  }
0xa9: {  	[tilespmem:s31], [sflag:$0x1] =	stream.indirect.gather @!p0 [hbm4b:s6+s0], $0x40, s15, s0, $0xb8;
	[tilespmem:$0x19640] =	vst v63  }
0xaa: {  	s15 =	simm.s32 @!p0 $0x148;
	s31 =	simm.s32 @!p0 $0x5840  }
0xab: {  	[tilespmem:s31], [sflag:$0x1] =	stream.indirect.gather @!p0 [hbm4b:s6+s1], $0x40, s15, s1, $0xb8;
	[tilespmem:$0x19640] =	vst v63  }
0xac: {  	s15 =	simm.s32 @!p0 $0x190;
	s31 =	simm.s32 @!p0 $0x6A40  }
0xad: {  	[tilespmem:s31], [sflag:$0x1] =	stream.indirect.gather @!p0 [hbm4b:s6+s0], $0x40, s15, s0, $0xb8;
	[tilespmem:$0x19640] =	vst v63  }
0xae: {  	s15 =	simm.s32 @!p0 $0x210;
	s31 =	simm.s32 @!p0 $0x8A40  }
0xaf: {  	[tilespmem:s31], [sflag:$0x1] =	stream.indirect.gather @!p0 [hbm4b:s6+s1], $0x40, s15, s1, $0xb8;
	[tilespmem:$0x19640] =	vst v63  }
0xb0: {  	s15 =	simm.s32 @!p0 $0x258;
	s31 =	simm.s32 @!p0 $0x9C40  }
0xb1: {  	[tilespmem:s31], [sflag:$0x1] =	stream.indirect.gather @!p0 [hbm4b:s6+s0], $0x40, s15, s0, $0xb8;
	[tilespmem:$0x19640] =	vst v63  }
0xb2: {  	s0 =	simm.s32 @!p0 $0x2D8;
	s15 =	simm.s32 @!p0 $0xBC40  }
0xb3: {  	[tilespmem:s15], [sflag:$0x1] =	stream.indirect.gather @!p0 [hbm4b:s6+s1], $0x40, s0, s1, $0xb8;
	[tilespmem:$0x19640] =	vst v63  }
0xb4: {  	_ =	swait.ge [sflag:s28], $0x2000  }
0xb5: {  	[sflag:s28] =	ssyncset.done $0x0  }
0xb6: {  	[sflag:s28] =	ssyncadd.s32 $0xFFFFE000  }
0xb7: {  	_ =	swait.ge [sflag:s28], $0x1200  }
0xb8: {  	[sflag:s28] =	ssyncset.done $0x0  }
0xb9: {  	[sflag:s28] =	ssyncadd.s32 $0xFFFFEE00  }
0xba: {  	_ =	swait.ge [sflag:s28], $0x2000  }
0xbb: {  	[sflag:s28] =	ssyncset.done $0x0  }
0xbc: {  	[sflag:s28] =	ssyncadd.s32 $0xFFFFE000  }
0xbd: {  	_ =	swait.ge [sflag:s28], $0x1200  }
0xbe: {  	[sflag:s28] =	ssyncset.done $0x0  }
0xbf: {  	[sflag:s28] =	ssyncadd.s32 $0xFFFFEE00  }
0xc0: {  	_ =	swait.ge [sflag:s28], $0x2000  }
0xc1: {  	[sflag:s28] =	ssyncset.done $0x0  }
0xc2: {  	[sflag:s28] =	ssyncadd.s32 $0xFFFFE000  }
0xc3: {  	_ =	swait.ge [sflag:s28], $0x1200  }
0xc4: {  	[sflag:s28] =	ssyncset.done $0x0  }
0xc5: {  	[sflag:s28] =	ssyncadd.s32 $0xFFFFEE00  }
0xc6: {  	_ =	swait.ge [sflag:s28], $0x2000  }
0xc7: {  	[sflag:s28] =	ssyncset.done $0x0  }
0xc8: {  	[sflag:s28] =	ssyncadd.s32 $0xFFFFE000  }
0xc9: {  	_ =	swait.ge [sflag:s28], $0x1200  }
0xca: {  	[sflag:s28] =	ssyncset.done $0x0  }
0xcb: {  	s0 =	simm.s32 $0xCE40;
	[sflag:s28] =	ssyncadd.s32 $0xFFFFEE00  }
0xcc: {  	v0 =	vld [tilespmem:s0+$0x1F0]  }
0xcd: {  	v1 =	vld [tilespmem:s0+$0x10]  }
0xce: {  	v2 =	vld [tilespmem:s0+$0x20]  }
0xcf: {  	v3 =	vld [tilespmem:s0+$0x30]  }
0xd0: {  	v4 =	vld [tilespmem:s0+$0x40]  }
0xd1: {  	v5 =	vld [tilespmem:s0+$0x50];
	v0 =	vmul.f32 $8.000000000e+00, v0  }
0xd2: {  	v6 =	vld [tilespmem:s0+$0x60];
	v1 =	vmul.f32 $8.000000000e+00, v1  }
0xd3: {  	v7 =	vld [tilespmem:s0+$0x70];
	v2 =	vmul.f32 $8.000000000e+00, v2;
	[tilespmem:s0+$0x1F0] =	vst v0  }
0xd4: {  	[tilespmem:s0+$0x10] =	vst v1;
	v0 =	vmul.f32 $8.000000000e+00, v3;
	v1 =	vld [tilespmem:s0+$0x80]  }
0xd5: {  	[tilespmem:s0+$0x20] =	vst v2;
	v2 =	vmul.f32 $8.000000000e+00, v4;
	v3 =	vld [tilespmem:s0+$0x90]  }
0xd6: {  	v4 =	vld [tilespmem:s0+$0xA0];
	[tilespmem:s0+$0x30] =	vst v0;
	v0 =	vmul.f32 $8.000000000e+00, v5  }
0xd7: {  	[tilespmem:s0+$0x40] =	vst v2;
	v2 =	vmul.f32 $8.000000000e+00, v6;
	v5 =	vld [tilespmem:s0+$0xB0]  }
0xd8: {  	v6 =	vld [tilespmem:s0+$0xC0];
	[tilespmem:s0+$0x50] =	vst v0;
	v0 =	vmul.f32 $8.000000000e+00, v7  }
0xd9: {  	[tilespmem:s0+$0x60] =	vst v2;
	v2 =	vld [tilespmem:s0+$0xD0];
	v1 =	vmul.f32 $8.000000000e+00, v1  }
0xda: {  	[tilespmem:s0+$0x70] =	vst v0;
	v0 =	vmul.f32 $8.000000000e+00, v3;
	v3 =	vld [tilespmem:s0+$0xE0]  }
0xdb: {  	[tilespmem:s0+$0x80] =	vst v1;
	v1 =	vmul.f32 $8.000000000e+00, v4;
	v4 =	vld [tilespmem:s0+$0xF0]  }
0xdc: {  	[tilespmem:s0+$0x90] =	vst v0;
	v0 =	vmul.f32 $8.000000000e+00, v5;
	v5 =	vld [tilespmem:s0+$0x100]  }
0xdd: {  	[tilespmem:s0+$0xA0] =	vst v1;
	v1 =	vmul.f32 $8.000000000e+00, v6;
	v6 =	vld [tilespmem:s0+$0x110]  }
0xde: {  	[tilespmem:s0+$0xB0] =	vst v0;
	v0 =	vmul.f32 $8.000000000e+00, v2;
	v2 =	vld [tilespmem:s0+$0x120]  }
0xdf: {  	[tilespmem:s0+$0xC0] =	vst v1;
	v1 =	vmul.f32 $8.000000000e+00, v3;
	v3 =	vld [tilespmem:s0+$0x130]  }
0xe0: {  	[tilespmem:s0+$0xD0] =	vst v0;
	v0 =	vmul.f32 $8.000000000e+00, v4;
	v4 =	vld [tilespmem:s0+$0x140]  }
0xe1: {  	[tilespmem:s0+$0xE0] =	vst v1;
	v1 =	vmul.f32 $8.000000000e+00, v5;
	v5 =	vld [tilespmem:s0+$0x150]  }
0xe2: {  	[tilespmem:s0+$0xF0] =	vst v0;
	v0 =	vmul.f32 $8.000000000e+00, v6;
	v6 =	vld [tilespmem:s0+$0x160]  }
0xe3: {  	[tilespmem:s0+$0x100] =	vst v1;
	v1 =	vmul.f32 $8.000000000e+00, v2;
	v2 =	vld [tilespmem:s0+$0x170]  }
0xe4: {  	[tilespmem:s0+$0x110] =	vst v0;
	v0 =	vmul.f32 $8.000000000e+00, v3;
	v3 =	vld [tilespmem:s0+$0x180]  }
0xe5: {  	[tilespmem:s0+$0x120] =	vst v1;
	v1 =	vmul.f32 $8.000000000e+00, v4;
	v4 =	vld [tilespmem:s0+$0x190]  }
0xe6: {  	v7 =	vld [tilespmem:s0+$0x1A0];
	[tilespmem:s0+$0x130] =	vst v0;
	v5 =	vmul.f32 $8.000000000e+00, v5  }
0xe7: {  	v0 =	vld [tilespmem:s0+$0x1B0];
	[tilespmem:s0+$0x140] =	vst v1;
	v6 =	vmul.f32 $8.000000000e+00, v6  }
0xe8: {  	v1 =	vld [tilespmem:s0+$0x1C0];
	[tilespmem:s0+$0x150] =	vst v5;
	v5 =	vmul.f32 $8.000000000e+00, v2  }
0xe9: {  	v2 =	vld [tilespmem:s0+$0x1D0];
	[tilespmem:s0+$0x160] =	vst v6;
	v6 =	vmul.f32 $8.000000000e+00, v3  }
0xea: {  	v3 =	vld [tilespmem:s0+$0x1E0];
	[tilespmem:s0+$0x170] =	vst v5;
	v5 =	vmul.f32 $8.000000000e+00, v4  }
0xeb: {  	s1 =	simm.s32 $0x0;
	s15 =	simm.s32 $0xD040;
	v4 =	vld [tilespmem:s0+$0x0];
	[tilespmem:s0+$0x180] =	vst v6;
	v6 =	vmul.f32 $8.000000000e+00, v7  }
.LBB2_5:
0xec: {  	v7 =	vld [tilespmem:s15+$0x1F0];
	s1 =	sadd.s32 $0x8, s1;
	[tilespmem:s0+$0x190] =	vst v5;
	v0 =	vmul.f32 $8.000000000e+00, v0  }
0xed: {  	v5 =	vld [tilespmem:s15+$0x10];
	p0 =	slt.u32 s1, $0x318;
	[tilespmem:s0+$0x1A0] =	vst v6;
	v1 =	vmul.f32 $8.000000000e+00, v1  }
0xee: {  	v6 =	vld [tilespmem:s15+$0x20];
	[tilespmem:s0+$0x1B0] =	vst v0;
	v0 =	vmul.f32 $8.000000000e+00, v2  }
0xef: {  	v2 =	vld [tilespmem:s15+$0x30];
	[tilespmem:s0+$0x1C0] =	vst v1;
	v1 =	vmul.f32 $8.000000000e+00, v3  }
0xf0: {  	v3 =	vld [tilespmem:s15+$0x40];
	v4 =	vmul.f32 $8.000000000e+00, v4;
	[tilespmem:s0+$0x1D0] =	vst v0  }
0xf1: {  	v0 =	vld [tilespmem:s15+$0x50];
	v7 =	vmul.f32 $8.000000000e+00, v7;
	[tilespmem:s0+$0x1E0] =	vst v1  }
0xf2: {  	v1 =	vmul.f32 $8.000000000e+00, v5;
	v5 =	vld [tilespmem:s15+$0x60];
	[tilespmem:s0+$0x0] =	vst v4;
	s0 =	smov.u32 s15  }
0xf3: {  	v4 =	vmul.f32 $8.000000000e+00, v6;
	v6 =	vld [tilespmem:s15+$0x70];
	[tilespmem:s15+$0x1F0] =	vst v7  }
0xf4: {  	[tilespmem:s15+$0x10] =	vst v1;
	v1 =	vmul.f32 $8.000000000e+00, v2;
	v2 =	vld [tilespmem:s15+$0x80]  }
0xf5: {  	[tilespmem:s15+$0x20] =	vst v4;
	v3 =	vmul.f32 $8.000000000e+00, v3;
	v4 =	vld [tilespmem:s15+$0x90]  }
0xf6: {  	[tilespmem:s15+$0x30] =	vst v1;
	v0 =	vmul.f32 $8.000000000e+00, v0;
	v1 =	vld [tilespmem:s15+$0xA0]  }
0xf7: {  	[tilespmem:s15+$0x40] =	vst v3;
	v3 =	vmul.f32 $8.000000000e+00, v5;
	v5 =	vld [tilespmem:s15+$0xB0]  }
0xf8: {  	[tilespmem:s15+$0x50] =	vst v0;
	v0 =	vmul.f32 $8.000000000e+00, v6;
	v6 =	vld [tilespmem:s15+$0xC0]  }
0xf9: {  	[tilespmem:s15+$0x60] =	vst v3;
	v2 =	vmul.f32 $8.000000000e+00, v2;
	v3 =	vld [tilespmem:s15+$0xD0]  }
0xfa: {  	[tilespmem:s15+$0x70] =	vst v0;
	v0 =	vmul.f32 $8.000000000e+00, v4;
	v4 =	vld [tilespmem:s15+$0xE0]  }
0xfb: {  	[tilespmem:s15+$0x80] =	vst v2;
	v1 =	vmul.f32 $8.000000000e+00, v1;
	v2 =	vld [tilespmem:s15+$0xF0]  }
0xfc: {  	[tilespmem:s15+$0x90] =	vst v0;
	v0 =	vmul.f32 $8.000000000e+00, v5;
	v5 =	vld [tilespmem:s15+$0x100]  }
0xfd: {  	[tilespmem:s15+$0xA0] =	vst v1;
	v1 =	vmul.f32 $8.000000000e+00, v6;
	v6 =	vld [tilespmem:s15+$0x110]  }
0xfe: {  	[tilespmem:s15+$0xB0] =	vst v0;
	v0 =	vmul.f32 $8.000000000e+00, v3;
	v3 =	vld [tilespmem:s15+$0x120]  }
0xff: {  	[tilespmem:s15+$0xC0] =	vst v1;
	v1 =	vmul.f32 $8.000000000e+00, v4;
	v4 =	vld [tilespmem:s15+$0x130]  }
0x100: {  	[tilespmem:s15+$0xD0] =	vst v0;
	v0 =	vmul.f32 $8.000000000e+00, v2;
	v2 =	vld [tilespmem:s15+$0x140]  }
0x101: {  	[tilespmem:s15+$0xE0] =	vst v1;
	v1 =	vmul.f32 $8.000000000e+00, v5;
	v5 =	vld [tilespmem:s15+$0x150]  }
0x102: {  	[tilespmem:s15+$0xF0] =	vst v0;
	v0 =	vmul.f32 $8.000000000e+00, v6;
	v6 =	vld [tilespmem:s15+$0x160]  }
0x103: {  	[tilespmem:s15+$0x100] =	vst v1;
	v1 =	vmul.f32 $8.000000000e+00, v3;
	v3 =	vld [tilespmem:s15+$0x170]  }
0x104: {  	[tilespmem:s15+$0x110] =	vst v0;
	v0 =	vmul.f32 $8.000000000e+00, v4;
	v4 =	vld [tilespmem:s15+$0x180]  }
0x105: {  	[tilespmem:s15+$0x120] =	vst v1;
	v1 =	vmul.f32 $8.000000000e+00, v2;
	v7 =	vld [tilespmem:s15+$0x190]  }
0x106: {  	[tilespmem:s15+$0x130] =	vst v0;
	v2 =	vmul.f32 $8.000000000e+00, v5;
	v8 =	vld [tilespmem:s15+$0x1A0]  }
.Ltmp1:
0x107: {  	[tilespmem:s15+$0x140] =	vst v1;
	v5 =	vmul.f32 $8.000000000e+00, v6;
	v0 =	vld [tilespmem:s15+$0x1B0];
	(pc) =	sbr.rel @p0 .LBB2_5-.Ltmp1, $4  }
0x108: {  	[tilespmem:s15+$0x150] =	vst v2;
	v3 =	vmul.f32 $8.000000000e+00, v3;
	v1 =	vld [tilespmem:s15+$0x1C0]  }
0x109: {  	[tilespmem:s15+$0x160] =	vst v5;
	v6 =	vmul.f32 $8.000000000e+00, v4;
	v2 =	vld [tilespmem:s15+$0x1D0]  }
0x10a: {  	[tilespmem:s15+$0x170] =	vst v3;
	v5 =	vmul.f32 $8.000000000e+00, v7;
	v3 =	vld [tilespmem:s15+$0x1E0]  }
0x10b: {  	s15 =	sadd.s32 $0x200, s15;
	v4 =	vld [tilespmem:s0+$0x0];
	[tilespmem:s0+$0x180] =	vst v6;
	v6 =	vmul.f32 $8.000000000e+00, v8  }
0x10c: {  	[tilespmem:s0+$0x190] =	vst v5;
	v0 =	vmul.f32 $8.000000000e+00, v0  }
0x10d: {  	s10 =	sadd.s32 $0x1, s10;
	[tilespmem:s0+$0x1A0] =	vst v6;
	v1 =	vmul.f32 $8.000000000e+00, v1  }
0x10e: {  	p0 =	sne.s32 s10, $0x10;
	[tilespmem:s0+$0x1B0] =	vst v0;
	v61 =	vmul.f32 $8.000000000e+00, v2  }
.Ltmp2:
0x10f: {  	[tilespmem:s0+$0x1C0] =	vst v1;
	v62 =	vmul.f32 $8.000000000e+00, v3;
	(pc) =	sbr.rel @p0 .LBB2_2-.Ltmp2, $4  }
0x110: {  	s1 =	smul.u32 $0x640, s7;
	v63 =	vmul.f32 $8.000000000e+00, v4;
	[tilespmem:s0+$0x1D0] =	vst v61  }
0x111: {  	[tilespmem:s0+$0x1E0] =	vst v62  }
0x112: {  	s31 =	sadd.s32 s2, s1;
	[tilespmem:s0+$0x0] =	vst v63  }
0x113: {  	[hbm4b:s31+s3] =	stream.linear.scatter [tilespmem:s30], [sflag:$0x4], $0xC800, $0x38;
	[tilespmem:$0x19640] =	vst v63  }
0x114: {  	s0 =	simm.s32 $0x3  }
0x115: {  	_ =	swait.ge [sflag:s0], $0xC800  }
0x116: {  	[sflag:s0] =	ssyncset.done $0x0  }
0x117: {  	s1 =	simm.s32 $0x4;
	[sflag:s0] =	ssyncadd.s32 $0xFFFF3800  }
0x118: {  	_ =	swait.ge [sflag:s1], $0xC800  }
0x119: {  	s7 =	rddreg [dreg:$0x5]  }
0x11a: {  	s31 =	rddreg [dreg:$0x4];
	s7 =	sadd.s32 $0x1, s7  }
0x11b: {  	p0 =	sne.s32 s7, s31  }
.Ltmp3:
0x11c: {  	_ = 	snop;
	(pc) =	sbr.rel @p0 .LBB2_1-.Ltmp3, $3  }
0x11d: {  	_ =	sdelay $0x1  }
0x11e: {  	[sflag:s1] =	ssyncset.done $0x0  }
0x11f: {  	[sflag:s1] =	ssyncadd.s32 $0xFFFF3800  }
0x120: {  	_ =	sfence.sel $0x180000  }
0x121: {  	[bflag:$0x0] =	sbarrier.arrive $0xFFFF  }
0x122: {  	_ =	strace $0x90000047  }
0x123: {  	s0 =	stileid.u32;
	[bflag:$0x2] =	sbarrier.arrive $0xFFFF  }
0x124: {  	p0 =	sne.s32 s0, $0x0;
	s0 =	rddreg [dreg:$0x2]  }
0x125: {  	s0 =	sadd.s32 @!p0 $0x100000, s0  }
0x126: {  	[sflag:s0] =	ssyncadd.tile.s32 @!p0 $0x1;
	_ =	shalt  }
.Lfunc_end2:
_tile_overlayer_lowered:
.L_overlay_start_2:
0x127: {  	(tag) =	ssettag $0x2  }
0x128: {  	s0 =	rddreg [dreg:$0x0];
	s2 =	stileid.u32  }
0x129: {  	s1 =	rddreg [dreg:$0x1];
	p0 =	sne.s32 s2, $0x0  }
0x12a: {  	s3 =	rddreg [dreg:$0x2];
	[bflag:$0x3] =	sbarrier.arrive $0xFFFF;
	s2 =	simm.s32 @!p0 $0x1C05  }
0x12b: {  	[timem:s3], [sflag:s2] =	dma.local @!p0 [hbm:s0], s1  }
0x12c: {  	s0 =	simm.s32 @!p0 $0x5  }
0x12d: {  	_ =	swait.ge @!p0 [sflag:s0], s1  }
0x12e: {  	s1 =	ssub.s32 @!p0 $0x0, s1;
	[sflag:s0] =	ssyncset.done @!p0 $0x0  }
0x12f: {  	[sflag:s0] =	ssyncadd.s32 @!p0 s1  }
0x130: {  	[bflag:$0x3] =	sbarrier.arrive $0xFFFF  }
0x131: {  	_ =	shalt  }

// kernel: sparse-core-data-format-call.cloned.1.call-start
scs
called_computation_lowered:
.L_overlay_start_0:
0x0: {  	s2 =	sld [smem:$0x3FD9]  }
0x1: {  	s3 =	sld [smem:$0x3FFE];
	_ =	sdelay $0x1  }
0x2: {  	s1 =	srdreg.scid  }
0x3: {  	s0 =	sand.u32 $0x1, s1  }
0x4: {  	s18 =	sshll.u32 s0, $0xA;
	s2 =	sadd.s32 s3, s2  }
0x5: {  	s2 =	sadd.s32 s2, s18  }
0x6: {  	[smem:$0x3FC6] =	sst s2  }
0x7: {  	_ = 	snop  }
0x8: {  	s2 =	sld [smem:$0x3FD0];
	(tm) =	ssettm $0x1  }
0x9: {  	s19 =	sld [smem:$0x3FFB];
	_ =	sdelay $0x3  }
0xa: {  	_ =	strace s19  }
0xb: {  	s3 =	sld [smem:$0x3FFC];
	_ =	sdelay $0x3  }
0xc: {  	_ =	strace s3  }
0xd: {  	s3 =	sld [smem:$0x3FFD];
	_ =	sdelay $0x3  }
0xe: {  	_ =	strace s3  }
0xf: {  	_ =	strace $0x8FFFFFFF  }
0x10: {  	s20 =	sld [smem:$0x3FDB];
	_ =	sdelay $0x1  }
0x11: {  	s4 =	simm.s32 $_scs_section_size  }
0x12: {  	s5 =	simm.s32 $_size__tile_overlayer_lowered;
	s6 =	simm.s32 $_tile_overlayer_lowered  }
0x13: {  	s23 =	simm.s32 $0x1BFF;
	s22 =	sshll.u32 s6, $0x1;
	s3 =	sadd.s32 s4, s20  }
0x14: {  	s7 =	simm.s32 $0x0;
	s21 =	sshll.u32 s5, $0x1;
	s5 =	sadd.s32 s22, s3  }
0x15: {  	[timem:s7], [sflag:s23] =	dma.local [hbm:s5], s21  }
0x16: {  	_ =	swait.ge [sflag:s23], s21  }
0x17: {  	s4 =	ssub.s32 $0x0, s21;
	[sflag:s23] =	ssyncset.done $0x0  }
0x18: {  	[sflag:s23] =	ssyncadd.s32 s4;
	_ =	sdelay $0x1  }
0x19: {  	s24 =	simm.s32 $0x1B8B  }
0x1a: {  	_ =	swait.ge [sflag:s24], $0x1  }
0x1b: {  	[sflag:s24] =	ssyncset.done $0x0  }
0x1c: {  	s26 =	simm.s32 $0x1B8E;
	s25 =	sld [smem:$0x3FFE];
	[sflag:s24] =	ssyncadd.s32 $0xFFFFFFFF  }
0x1d: {  	s27 =	simm.s32 $execute0_lowered;
	[smem:$0x3FD2] =	sst s26  }
0x1e: {  	s5 =	sshll.u32 s27, $0x1;
	_ =	strace $0x80000049;
	[dreg:$0x1] =	wrdreg $0xFFFFFFFF  }
0x1f: {  	s28 =	simm.s32 $_size_execute0_lowered;
	s3 =	sadd.s32 s3, s5;
	[dreg:$0x0] =	wrdreg $0x0  }
0x20: {  	s5 =	sshll.u32 s28, $0x1;
	[dreg:$0x2] =	wrdreg s3  }
0x21: {  	[dreg:$0x3] =	wrdreg s5  }
0x22: {  	[dreg:$0x4] =	wrdreg $0xC0  }
0x23: {  	_ =	task [dreg:s7], $0x5FFFF  }
0x24: {  	[dreg:$0x1] =	wrdreg $0xFFFFFFFF  }
0x25: {  	[dreg:$0x0] =	wrdreg $0x60  }
0x26: {  	[dreg:$0x2] =	wrdreg s25  }
0x27: {  	[dreg:$0x3] =	wrdreg s2  }
0x28: {  	[dreg:$0x4] =	wrdreg $0x9  }
0x29: {  	_ =	task.clear_ibuf [dreg:s7], $0x5FFFF;
	_ =	strace $0x90000049  }
0x2a: {  	s29 =	simm.s32 $0x9;
	_ =	strace $0x8000004B  }
0x2b: {  	_ =	swait.ge [sflag:s29], $0x1  }
0x2c: {  	[sflag:s29] =	ssyncadd.s32 $0xFFFFFFFF  }
0x2d: {  	_ =	strace $0x9000004B  }
0x2e: {  	_ =	sfence  }
0x2f: {  	s30 =	sld [smem:$0x0];
	_ =	sdelay $0x2  }
0x30: {  	s31 =	sshll.u32 s1, $0xD;
	s1 =	sshrl.u32 s1, $0x2  }
0x31: {  	s3 =	sand.u32 $0x4000, s31;
	s1 =	sadd.s32 s1, s30  }
0x32: {  	s0 =	sor.u32 s3, s0;
	s1 =	sshll.u32 s1, $0x11  }
0x33: {  	s0 =	sor.u32 s1, s0  }
0x34: {  	s0 =	sadd.s32 $0x8F2B, s0  }
0x35: {  	[sflag:s0] =	ssyncadd.remote.s32 $0x1  }
0x36: {  	_ =	sfence.sel $0xFFFF  }
0x37: {  	[dreg:$0x0] =	wrdreg $0xFFFFFFFF;
	(pc) =	sbr.abs _section_cstart, $3  }
0x38: {  	[dreg:$0x1] =	wrdreg $0xFFFFFFFF  }
0x39: {  	_ =	task.clear_ibuf [dreg:s7], $0x2FFFF;
	_ =	strace $0x9FFFFFFF  }
0x3a: {  	(tm) =	ssettm $0x7FFFFFFF  }
0x3b: {  	_ =	shalt  }
tec
execute0_lowered:
.L_overlay_start_1:
0x0: {  	(tag) =	ssettag $0x1  }
0x1: {  	s0 =	srdreg.scid  }
0x2: {  	s1 =	sshll.u32 s0, $0x4  }
0x3: {  	s0 =	stileid.u32;
	s1 =	sand.u32 $0x10, s1  }
0x4: {  	s1 =	sor.u32 s0, s1  }
0x5: {  	s6 =	rddreg [dreg:$0x0];
	s4 =	simm.s32 $0x1;
	s2 =	sshll.u32 s1, $0x7  }
0x6: {  	s7 =	simm.s32 $0x2;
	s12 =	simm.s32 $0x0;
	s1 =	ssub.s32 $0x1000, s2  }
0x7: {  	s8 =	simm.s32 $0x8000;
	s13 =	simm.s32 $0x0;
	s3 =	sand.u32 $0xF80, s1  }
0x8: {  	s9 =	simm.s32 $0x0;
	s5 =	sshrl.u32 s1, $0xC;
	p0 =	sne.s32 s3, $0x0  }
.Ltmp0:
0x9: {  	s1 =	rddreg [dreg:$0x2];
	s4 =	simm.s32 @!p0 $0x0;
	(pc) =	sbr.rel .LBB1_1-.Ltmp0, $4  }
0xa: {  	s11 =	simm.s32 $0x0;
	s3 =	rddreg [dreg:$0x1];
	s5 =	sadd.s32 s4, s5  }
0xb: {  	_ =	strace $0x8000004A;
	s4 =	simm.s32 $0x1;
	s5 =	smul.u32 $0xC8, s5  }
0xc: {  	s6 =	sadd.s32 $0xA00, s6;
	s10 =	smov.u32 s2;
	[sflag:s4] =	ssyncpa.u1 $0x0  }
0xd: {  	p0 =	por $0x0, $0x0;
	[sflag:s7] =	ssyncpa.u1 $0x0;
	s7 =	sor.u32 $0x1, s5  }
.LBB1_4:
0xe: {  	s16 =	sshll.u32 s13, $0x3;
	s17 =	sand.u32 $0x78, s13  }
0xf: {  	s30 =	sand.u32 $0x7E00, s13;
	s12 =	sshll.u32 s12, $0xF;
	s16 =	sand.u32 $0xC00, s16  }
0x10: {  	[tilespmem:s15+$0x810 ss:$0x81] =	vst.msk $0xffff, v2;
	s31 =	sand.u32 $0x7, s13;
	s16 =	sor.u32 s17, s16;
	s17 =	sadd.s32 s3, s30  }
0x11: {  	[tilespmem:s15+$0x1020 ss:$0x81] =	vst.msk $0xffff, v0;
	s13 =	sshll.u32 s31, $0x12;
	s12 =	sadd.s32 s12, s17;
	s16 =	sshrl.u32 s16, $0x3  }
0x12: {  	[tilespmem:s15+$0x0 ss:$0x81] =	vst.msk $0xffff, v1;
	s13 =	sor.u32 $0x400, s13;
	s12 =	sadd.s32 s16, s12  }
0x13: {  	[hbm4b:s12+s13] =	stream.strided.scatter [tilespmem:s14], [sflag:$0x2], $0x2000, s8, s13, $0x20;
	[tilespmem:$0x8080] =	vst v63  }
.LBB1_5:
0x14: {  	s14 =	sadd.s32 $0x1, s9  }
0x15: {  	s12 =	sadd.s32 $0x1000, s10;
	s16 =	smov.u32 s10;
	p2 =	sgt.s32 s14, $0xC7  }
0x16: {  	s16 =	smov.u32 @p2 s12  }
0x17: {  	s14 =	simm.s32 @p2 $0x0;
	p2 =	sgt.s32 s16, $0xFFF  }
0x18: {  	s16 =	smov.u32 @p2 s2;
	p2 =	sne.s32 s11, s7  }
.Ltmp1:
0x19: {  	p1 =	slt.u32 s11, $0x2;
	(pc) =	sbr.rel @!p2 .LBB1_6-.Ltmp1, $4  }
0x1a: {  	s15 =	simm.s32 @!p1 $0x2  }
0x1b: {  	s13 =	smov.u32 s10;
	p0 =	por !p0, !p0;
	_ =	swait.ge @!p1 [sflag:s15], $0x2000  }
0x1c: {  	s12 =	smov.u32 s9;
	[sflag:s15] =	ssyncset.done @!p1 $0x0;
	s9 =	smov.u32 s14  }
0x1d: {  	s11 =	sadd.s32 $0x1, s11;
	[sflag:s15] =	ssyncadd.s32 @!p1 $0xFFFFE000;
	s10 =	smov.u32 s16  }
.LBB1_1:
0x1e: {  	p1 =	sge.u32 s11, s5  }
0x1f: {  	s14 =	sand.u32 @!p1 $0x1FFFFFF, s9  }
0x20: {  	s15 =	smulhi.u32 @!p1 $0x147AE15, s14;
	_ =	sdelay $0x1  }
0x21: {  	s15 =	smul.u32 @!p1 $0xC8, s15  }
0x22: {  	s16 =	sxor.u32 @!p1 $0xFFFFFFFF, s11;
	s17 =	smul.u32 @!p1 $0xC80, s10  }
0x23: {  	s31 =	sadd.s32 $0xFFFFFFFF, s11;
	s16 =	sshll.u32 @!p1 s16, $0xD;
	s14 =	ssub.s32 @!p1 s14, s15  }
0x24: {  	s15 =	sand.u32 @!p1 $0x2000, s16;
	s16 =	sadd.s32 @!p1 s6, s17;
	s14 =	sshll.u32 @!p1 s14, $0x4  }
0x25: {  	s17 =	simm.s32 @!p1 $0x6400;
	s14 =	sadd.s32 @!p1 s14, s16;
	s16 =	simm.s32 @!p1 $0x40  }
0x26: {  	[tilespmem:s15], [sflag:$0x1] =	stream.strided.gather @!p1 [hbm4b:s14+s16], $0x2000, s17, s16, $0x38;
	[tilespmem:$0x8080] =	vst v63  }
0x27: {  	p1 =	sge.u32 s31, s5  }
.Ltmp2:
0x28: {  	_ = 	snop;
	(pc) =	sbr.rel @p1 .LBB1_5-.Ltmp2, $1  }
0x29: {  	_ =	sdelay $0x3  }
0x2a: {  	s14 =	simm.s32 $0x1  }
0x2b: {  	_ =	swait.ge [sflag:s4], $0x2000;
	s14 =	simm.s32 @!p0 $0x0  }
0x2c: {  	[sflag:s4] =	ssyncset.done $0x0;
	s15 =	sshll.u32 s14, $0xD  }
0x2d: {  	[sflag:s4] =	ssyncadd.s32 $0xFFFFE000;
	s18 =	sor.u32 $0x20, s15  }
0x2e: {  	s14 =	smul.u32 $0x8100, s14;
	v3 =	vld [tilespmem:s18+$0x10]  }
0x2f: {  	s30 =	sand.u32 $0x1, s11;
	v2 =	vld [tilespmem:s18+$0xFFFFFFF0]  }
0x30: {  	s15 =	smul.u32 $0x8100, s30;
	s14 =	sshrl.u32 s14, $0x2;
	v0 =	vld [tilespmem:s18+$0x0]  }
0x31: {  	v1 =	vld [tilespmem:s18+$0xFFFFFFE0];
	s16 =	sor.u32 $0x4000, s14  }
0x32: {  	s31 =	sshrl.u32 s15, $0x2;
	s15 =	sadd.s32 $0x0, s16  }
0x33: {  	s17 =	simm.s32 $0x4;
	s18 =	sadd.s32 $0x40, s18;
	s14 =	sor.u32 $0x4000, s31;
	[tilespmem:s15+$0x1830 ss:$0x81] =	vst.msk $0xffff, v3  }
.LBB1_3:
0x34: {  	v3 =	vld [tilespmem:s18+$0x10];
	p1 =	sne.s32 s17, $0x1FC;
	[tilespmem:s15+$0x810 ss:$0x81] =	vst.msk $0xffff, v2;
	s19 =	smov.u32 s17;
	s17 =	sadd.s32 $0x4, s17  }
.Ltmp3:
0x35: {  	v2 =	vld [tilespmem:s18+$0xFFFFFFF0];
	[tilespmem:s15+$0x1020 ss:$0x81] =	vst.msk $0xffff, v0;
	(pc) =	sbr.rel @p1 .LBB1_3-.Ltmp3, $4  }
0x36: {  	v0 =	vld [tilespmem:s18+$0x0];
	[tilespmem:s15+$0x0 ss:$0x81] =	vst.msk $0xffff, v1  }
0x37: {  	s15 =	sshra.s32 s19, $0x2;
	v1 =	vld [tilespmem:s18+$0xFFFFFFE0]  }
0x38: {  	s15 =	sadd.s32 s15, s16  }
0x39: {  	s18 =	sadd.s32 $0x40, s18;
	[tilespmem:s15+$0x1830 ss:$0x81] =	vst.msk $0xffff, v3  }
.Ltmp4:
0x3a: {  	_ = 	snop;
	(pc) =	sbr.rel .LBB1_4-.Ltmp4, $1  }
0x3b: {  	_ =	sdelay $0x3  }
.LBB1_6:
0x3c: {  	_ =	sfence.sel $0x180000  }
0x3d: {  	s2 =	simm.s32 $0x1;
	[bflag:$0x0] =	sbarrier.arrive $0xFFFF  }
0x3e: {  	s31 =	simm.s32 $0x2;
	[sflag:s2] =	ssyncpa.u1 $0x1  }
0x3f: {  	[sflag:s31] =	ssyncpa.u1 $0x1  }
0x40: {  	p0 =	sne.s32 s0, $0x0;
	_ =	strace $0x9000004A  }
0x41: {  	s0 =	sadd.s32 @!p0 $0x100000, s1;
	[bflag:$0x2] =	sbarrier.arrive $0xFFFF  }
0x42: {  	[sflag:s0] =	ssyncadd.tile.s32 @!p0 $0x1;
	_ =	shalt  }
.Lfunc_end1:
_tile_overlayer_lowered:
.L_overlay_start_2:
0x43: {  	(tag) =	ssettag $0x2  }
0x44: {  	s0 =	rddreg [dreg:$0x0];
	s2 =	stileid.u32  }
0x45: {  	s1 =	rddreg [dreg:$0x1];
	p0 =	sne.s32 s2, $0x0  }
0x46: {  	s3 =	rddreg [dreg:$0x2];
	[bflag:$0x3] =	sbarrier.arrive $0xFFFF;
	s2 =	simm.s32 @!p0 $0x1C01  }
0x47: {  	[timem:s3], [sflag:s2] =	dma.local @!p0 [hbm:s0], s1  }
0x48: {  	s0 =	simm.s32 @!p0 $0x1  }
0x49: {  	_ =	swait.ge @!p0 [sflag:s0], s1  }
0x4a: {  	s1 =	ssub.s32 @!p0 $0x0, s1;
	[sflag:s0] =	ssyncset.done @!p0 $0x0  }
0x4b: {  	[sflag:s0] =	ssyncadd.s32 @!p0 s1  }
0x4c: {  	[bflag:$0x3] =	sbarrier.arrive $0xFFFF  }
0x4d: {  	_ =	shalt  }

</sc_bundles>
